<compile_context>
chip_gen: v7x
topology: tpu7x:2x2x1
jax: 0.10.2.dev20260603
libtpu: 0.0.44.dev20260713+nightly
codegen_flags: <defaults>
</compile_context>

<pallas_src>
import functools

import jax
import jax.numpy as jnp
from jax import lax
from jax.experimental import pallas as pl
from jax.experimental.pallas import tpu as pltpu
from jax.experimental.pallas import tpu_sc as plsc

ROW = 128
GROUP_ROWS = 4
GS = ROW * GROUP_ROWS
NBUF = 2


@functools.partial(jax.jit, static_argnums=(2, 3, 4))
def _embed(x2, table, N, NC, NS):
    D = table.shape[1]
    NW = NC * NS
    per_w = N // NW
    n_groups = per_w // GS
    assert n_groups % 2 == 0 and n_groups >= 4
    mesh = plsc.VectorSubcoreMesh(core_axis_name="c", subcore_axis_name="s")

    @functools.partial(
        pl.kernel,
        mesh=mesh,
        out_type=jax.ShapeDtypeStruct((N, D), jnp.float32),
        compiler_params=pltpu.CompilerParams(use_tc_tiling_on_sc=False),
        scratch_types=[
            pltpu.VMEM((NBUF, GROUP_ROWS, ROW), jnp.int32),
            pltpu.VMEM((NBUF, GS, D), jnp.float32),
            pltpu.SemaphoreType.DMA,
            pltpu.SemaphoreType.DMA,
        ],
    )
    def k(x_hbm, table_hbm, out_hbm, idx_v, rows_v, sem0, sem1):
        wid = lax.axis_index("s") * NC + lax.axis_index("c")
        wb = wid * per_w
        sems = [sem0, sem1]

        def issue(g, b):
            base = pl.multiple_of(wb + g * GS, GS)
            row0 = pl.multiple_of(base // ROW, GROUP_ROWS)
            pltpu.sync_copy(x_hbm.at[pl.ds(row0, GROUP_ROWS)], idx_v.at[b])
            for j in range(GROUP_ROWS):
                pltpu.async_copy(
                    table_hbm.at[idx_v.at[b, j]],
                    rows_v.at[b, pl.ds(j * ROW, ROW)],
                    sems[b],
                )

        def drain(g, b):
            pltpu.make_async_copy(
                out_hbm.at[pl.ds(0, GS)], rows_v.at[b], sems[b]
            ).wait()
            base = pl.multiple_of(wb + g * GS, GS)
            pltpu.sync_copy(rows_v.at[b], out_hbm.at[pl.ds(base, GS)])

        issue(0, 0)

        def body(i, carry):
            g = 2 * i
            issue(g + 1, 1)
            drain(g, 0)
            issue(g + 2, 0)
            drain(g + 1, 1)
            return carry

        lax.fori_loop(0, n_groups // 2 - 1, body, 0)
        g_last = n_groups - 1
        issue(g_last, 1)
        drain(g_last - 1, 0)
        drain(g_last, 1)

    return k(x2, table)


def kernel(x, table):
    B, H = x.shape
    D = table.shape[1]
    N = B * H
    info = plsc.get_sparse_core_info()
    NC, NS = info.num_cores, info.num_subcores
    assert N % (NC * NS * GS) == 0
    x2 = x.astype(jnp.int32).reshape(N // ROW, ROW)
    out = _embed(x2, table, N, NC, NS)
    return out.reshape(B, H, D)

# --- scband reference (transcript-rebuilt; emitter-appended) ---
"""Pipeline reference for scband-embedder-13185549599136 (READ-ONLY COPY).

The authoritative reference and input builder live on the scoring server;
editing this copy changes nothing except your own understanding.
"""

import jax, jax.numpy as jnp
import numpy as np

VOCAB = 1000000
EMBED_DIM = 64
BATCH = 16384
HIST = 50

def setup_inputs(seed: int = 0) -> dict:
    key = jax.random.key(seed)
    k1, k2 = jax.random.split(key)
    x = jax.random.randint(k1, (BATCH, HIST), 0, VOCAB, dtype=jnp.int64) if jax.config.jax_enable_x64 else jax.random.randint(k1, (BATCH, HIST), 0, VOCAB, dtype=jnp.int32)
    table = jax.random.normal(k2, (VOCAB, EMBED_DIM), dtype=jnp.float32)
    return {"x": x, "table": table}

def reference(x, table):
    # nn.Embedding forward: gather rows of the embedding table by index
    return jnp.take(table, x, axis=0)

if __name__ == "__main__":
    import jax
    _d = setup_inputs()
    print(jax.jit(kernel)(*tuple(_d.values())))

</pallas_src>

<mosaic_0001>
#map = affine_map<(d0, d1) -> (0, 0)>
module attributes {stable_mosaic.version = 14 : i64} {
  func.func @k(%arg0: i32, %arg1: i32, %arg2: memref<6400x128xi32, #tpu.memory_space<hbm>>, %arg3: memref<1000000x64xf32, #tpu.memory_space<hbm>>, %arg4: memref<819200x64xf32, #tpu.memory_space<hbm>>, %arg5: memref<2x4x128xi32, #tpu.memory_space<vmem>>, %arg6: memref<2x512x64xf32, #tpu.memory_space<vmem>>, %arg7: memref<!tpu.dma_semaphore, #tpu.memory_space<semaphore_mem>>, %arg8: memref<!tpu.dma_semaphore, #tpu.memory_space<semaphore_mem>>) attributes {dimension_semantics = [#tpu.dimension_semantics<core_parallel>, #tpu.dimension_semantics<subcore_parallel>], iteration_bounds = array<i64: 2, 16>, scalar_prefetch = 0 : i64, scratch_operands = 4 : i64, tpu.core_type = #tpu.core_type<sc_vector_subcore>, window_params = [{transform_indices = #map}, {transform_indices = #map}, {transform_indices = #map}]} {
    %mul3A = arith.constant 2 : i32
    %mul3A_0 = arith.muli %arg1, %mul3A : i32
    %add3A = arith.addi %mul3A_0, %arg0 : i32
    %mul3A_1 = arith.constant 25600 : i32
    %mul3A_2 = arith.muli %add3A, %mul3A_1 : i32
    %add3A_3 = arith.constant 0 : i32
    %add3A_4 = arith.addi %mul3A_2, %add3A_3 : i32
    %multiple_of3A = tpu.assume_multiple %add3A_4, 512 : i32
    %jit3A = arith.constant 128 : i32
    %div3A = arith.divsi %multiple_of3A, %jit3A : i32
    %sign3A = arith.constant 0 : i32
    %sign3A_5 = arith.cmpi sgt, %multiple_of3A, %sign3A : i32
    %sign3A_6 = arith.extui %sign3A_5 : i1 to i32
    %sign3A_7 = arith.constant 0 : i32
    %sign3A_8 = arith.cmpi slt, %multiple_of3A, %sign3A_7 : i32
    %sign3A_9 = arith.extui %sign3A_8 : i1 to i32
    %sign3A_10 = arith.subi %sign3A_6, %sign3A_9 : i32
    %sign3A_11 = arith.constant 0 : i32
    %sign3A_12 = arith.cmpi sgt, %jit3A, %sign3A_11 : i32
    %sign3A_13 = arith.extui %sign3A_12 : i1 to i32
    %sign3A_14 = arith.constant 0 : i32
    %sign3A_15 = arith.cmpi slt, %jit3A, %sign3A_14 : i32
    %sign3A_16 = arith.extui %sign3A_15 : i1 to i32
    %sign3A_17 = arith.subi %sign3A_13, %sign3A_16 : i32
    %ne3A = arith.cmpi ne, %sign3A_10, %sign3A_17 : i32
    %rem3A = arith.remsi %multiple_of3A, %jit3A : i32
    %ne3A_18 = arith.constant 0 : i32
    %ne3A_19 = arith.cmpi ne, %rem3A, %ne3A_18 : i32
    %and3A = arith.andi %ne3A, %ne3A_19 : i1
    %sub3A = arith.constant 1 : i32
    %sub3A_20 = arith.subi %div3A, %sub3A : i32
    %select_n3A = arith.select %and3A, %sub3A_20, %div3A : i32
    %multiple_of3A_21 = tpu.assume_multiple %select_n3A, 4 : i32
    %run_scoped3A = arith.constant 0 : i32
    "tpu.region"() ({
      %run_scoped3A_196 = tpu.sem_alloc : memref<!tpu.dma_semaphore, #tpu.memory_space<semaphore_mem>>
      %dma_start3A_197 = arith.constant 0 : i32
      %dma_start3A_198 = arith.constant 0 : i32
      %dma_start3A_199 = tpu.memref_slice %arg5[%run_scoped3A, %dma_start3A_197, %dma_start3A_198] : memref<2x4x128xi32, #tpu.memory_space<vmem>> -> memref<1x4x128xi32, #tpu.memory_space<vmem>>
      %dma_start3A_200 = tpu.memref_squeeze %dma_start3A_199 : memref<1x4x128xi32, #tpu.memory_space<vmem>> -> memref<4x128xi32, #tpu.memory_space<vmem>>
      %dma_start3A_201 = arith.constant 0 : i32
      %dma_start3A_202 = tpu.memref_slice %arg2[%multiple_of3A_21, %dma_start3A_201] : memref<6400x128xi32, #tpu.memory_space<hbm>> -> memref<4x128xi32, #tpu.memory_space<hbm>>
      %dma_start3A_203 = arith.constant 0 : i32
      %dma_start3A_204 = arith.constant 0 : i32
      %dma_start3A_205 = tpu.memref_slice %arg5[%run_scoped3A, %dma_start3A_203, %dma_start3A_204] : memref<2x4x128xi32, #tpu.memory_space<vmem>> -> memref<1x4x128xi32, #tpu.memory_space<vmem>>
      %dma_start3A_206 = tpu.memref_squeeze %dma_start3A_205 : memref<1x4x128xi32, #tpu.memory_space<vmem>> -> memref<4x128xi32, #tpu.memory_space<vmem>>
      %dma_start3A_207 = arith.constant 0 : i32
      %dma_start3A_208 = tpu.memref_slice %arg2[%multiple_of3A_21, %dma_start3A_207] : memref<6400x128xi32, #tpu.memory_space<hbm>> -> memref<4x128xi32, #tpu.memory_space<hbm>>
      tpu.enqueue_dma source(%dma_start3A_208 : memref<4x128xi32, #tpu.memory_space<hbm>>) target(%dma_start3A_206 : memref<4x128xi32, #tpu.memory_space<vmem>>) target_semaphore(%run_scoped3A_196 : memref<!tpu.dma_semaphore, #tpu.memory_space<semaphore_mem>>)
      %dma_wait3A_209 = arith.constant 0 : i32
      %dma_wait3A_210 = arith.constant 0 : i32
      %dma_wait3A_211 = tpu.memref_slice %arg5[%run_scoped3A, %dma_wait3A_209, %dma_wait3A_210] : memref<2x4x128xi32, #tpu.memory_space<vmem>> -> memref<1x4x128xi32, #tpu.memory_space<vmem>>
      %dma_wait3A_212 = tpu.memref_squeeze %dma_wait3A_211 : memref<1x4x128xi32, #tpu.memory_space<vmem>> -> memref<4x128xi32, #tpu.memory_space<vmem>>
      %dma_wait3A_213 = arith.constant 0 : i32
      %dma_wait3A_214 = tpu.memref_slice %arg2[%multiple_of3A_21, %dma_wait3A_213] : memref<6400x128xi32, #tpu.memory_space<hbm>> -> memref<4x128xi32, #tpu.memory_space<hbm>>
      %dma_wait3A_215 = arith.constant 0 : i32
      %dma_wait3A_216 = arith.constant 0 : i32
      %dma_wait3A_217 = tpu.memref_slice %arg5[%run_scoped3A, %dma_wait3A_215, %dma_wait3A_216] : memref<2x4x128xi32, #tpu.memory_space<vmem>> -> memref<1x4x128xi32, #tpu.memory_space<vmem>>
      %dma_wait3A_218 = tpu.memref_squeeze %dma_wait3A_217 : memref<1x4x128xi32, #tpu.memory_space<vmem>> -> memref<4x128xi32, #tpu.memory_space<vmem>>
      %dma_wait3A_219 = arith.constant 0 : i32
      %dma_wait3A_220 = tpu.memref_slice %arg2[%multiple_of3A_21, %dma_wait3A_219] : memref<6400x128xi32, #tpu.memory_space<hbm>> -> memref<4x128xi32, #tpu.memory_space<hbm>>
      tpu.wait_dma2 semaphore(%run_scoped3A_196 : memref<!tpu.dma_semaphore, #tpu.memory_space<semaphore_mem>>) src(%dma_wait3A_220 : memref<4x128xi32, #tpu.memory_space<hbm>>) dst(%dma_wait3A_218 : memref<4x128xi32, #tpu.memory_space<vmem>>)
      tpu.yield
    }) : () -> ()
    %dma_start3A = arith.constant 0 : i32
    %dma_start3A_22 = arith.constant 0 : i32
    %dma_start3A_23 = arith.constant 0 : i32
    %dma_start3A_24 = arith.constant 0 : i32
    %dma_start3A_25 = arith.constant 0 : i32
    %dma_start3A_26 = tpu.memref_slice %arg6[%dma_start3A_23, %dma_start3A_24, %dma_start3A_25] : memref<2x512x64xf32, #tpu.memory_space<vmem>> -> memref<1x128x64xf32, #tpu.memory_space<vmem>>
    %dma_start3A_27 = tpu.memref_squeeze %dma_start3A_26 : memref<1x128x64xf32, #tpu.memory_space<vmem>> -> memref<128x64xf32, #tpu.memory_space<vmem>>
    %dma_start3A_28 = arith.constant 0 : i32
    %dma_start3A_29 = tpu.memref_slice %arg5[%dma_start3A, %dma_start3A_22, %dma_start3A_28] : memref<2x4x128xi32, #tpu.memory_space<vmem>> -> memref<1x1x128xi32, #tpu.memory_space<vmem>>
    %dma_start3A_30 = tpu.memref_squeeze %dma_start3A_29 : memref<1x1x128xi32, #tpu.memory_space<vmem>> -> memref<128xi32, #tpu.memory_space<vmem>>
    %dma_start3A_31 = arith.constant 0 : i32
    %dma_start3A_32 = arith.constant 0 : i32
    %dma_start3A_33 = tpu.memref_slice %arg3[%dma_start3A_31, %dma_start3A_32] : memref<1000000x64xf32, #tpu.memory_space<hbm>> -> memref<1000000x64xf32, #tpu.memory_space<hbm>>
    tpu.enqueue_indirect_dma source(%dma_start3A_33 : memref<1000000x64xf32, #tpu.memory_space<hbm>>) target(%dma_start3A_27 : memref<128x64xf32, #tpu.memory_space<vmem>>) offsets(%dma_start3A_30 : memref<128xi32, #tpu.memory_space<vmem>>) semaphore(%arg7 : memref<!tpu.dma_semaphore, #tpu.memory_space<semaphore_mem>>)
    %dma_start3A_34 = arith.constant 0 : i32
    %dma_start3A_35 = arith.constant 1 : i32
    %dma_start3A_36 = arith.constant 0 : i32
    %dma_start3A_37 = arith.constant 128 : i32
    %dma_start3A_38 = arith.constant 0 : i32
    %dma_start3A_39 = tpu.memref_slice %arg6[%dma_start3A_36, %dma_start3A_37, %dma_start3A_38] : memref<2x512x64xf32, #tpu.memory_space<vmem>> -> memref<1x128x64xf32, #tpu.memory_space<vmem>>
    %dma_start3A_40 = tpu.memref_squeeze %dma_start3A_39 : memref<1x128x64xf32, #tpu.memory_space<vmem>> -> memref<128x64xf32, #tpu.memory_space<vmem>>
    %dma_start3A_41 = arith.constant 0 : i32
    %dma_start3A_42 = tpu.memref_slice %arg5[%dma_start3A_34, %dma_start3A_35, %dma_start3A_41] : memref<2x4x128xi32, #tpu.memory_space<vmem>> -> memref<1x1x128xi32, #tpu.memory_space<vmem>>
    %dma_start3A_43 = tpu.memref_squeeze %dma_start3A_42 : memref<1x1x128xi32, #tpu.memory_space<vmem>> -> memref<128xi32, #tpu.memory_space<vmem>>
    %dma_start3A_44 = arith.constant 0 : i32
    %dma_start3A_45 = arith.constant 0 : i32
    %dma_start3A_46 = tpu.memref_slice %arg3[%dma_start3A_44, %dma_start3A_45] : memref<1000000x64xf32, #tpu.memory_space<hbm>> -> memref<1000000x64xf32, #tpu.memory_space<hbm>>
    tpu.enqueue_indirect_dma source(%dma_start3A_46 : memref<1000000x64xf32, #tpu.memory_space<hbm>>) target(%dma_start3A_40 : memref<128x64xf32, #tpu.memory_space<vmem>>) offsets(%dma_start3A_43 : memref<128xi32, #tpu.memory_space<vmem>>) semaphore(%arg7 : memref<!tpu.dma_semaphore, #tpu.memory_space<semaphore_mem>>)
    %dma_start3A_47 = arith.constant 0 : i32
    %dma_start3A_48 = arith.constant 2 : i32
    %dma_start3A_49 = arith.constant 0 : i32
    %dma_start3A_50 = arith.constant 256 : i32
    %dma_start3A_51 = arith.constant 0 : i32
    %dma_start3A_52 = tpu.memref_slice %arg6[%dma_start3A_49, %dma_start3A_50, %dma_start3A_51] : memref<2x512x64xf32, #tpu.memory_space<vmem>> -> memref<1x128x64xf32, #tpu.memory_space<vmem>>
    %dma_start3A_53 = tpu.memref_squeeze %dma_start3A_52 : memref<1x128x64xf32, #tpu.memory_space<vmem>> -> memref<128x64xf32, #tpu.memory_space<vmem>>
    %dma_start3A_54 = arith.constant 0 : i32
    %dma_start3A_55 = tpu.memref_slice %arg5[%dma_start3A_47, %dma_start3A_48, %dma_start3A_54] : memref<2x4x128xi32, #tpu.memory_space<vmem>> -> memref<1x1x128xi32, #tpu.memory_space<vmem>>
    %dma_start3A_56 = tpu.memref_squeeze %dma_start3A_55 : memref<1x1x128xi32, #tpu.memory_space<vmem>> -> memref<128xi32, #tpu.memory_space<vmem>>
    %dma_start3A_57 = arith.constant 0 : i32
    %dma_start3A_58 = arith.constant 0 : i32
    %dma_start3A_59 = tpu.memref_slice %arg3[%dma_start3A_57, %dma_start3A_58] : memref<1000000x64xf32, #tpu.memory_space<hbm>> -> memref<1000000x64xf32, #tpu.memory_space<hbm>>
    tpu.enqueue_indirect_dma source(%dma_start3A_59 : memref<1000000x64xf32, #tpu.memory_space<hbm>>) target(%dma_start3A_53 : memref<128x64xf32, #tpu.memory_space<vmem>>) offsets(%dma_start3A_56 : memref<128xi32, #tpu.memory_space<vmem>>) semaphore(%arg7 : memref<!tpu.dma_semaphore, #tpu.memory_space<semaphore_mem>>)
    %dma_start3A_60 = arith.constant 0 : i32
    %dma_start3A_61 = arith.constant 3 : i32
    %dma_start3A_62 = arith.constant 0 : i32
    %dma_start3A_63 = arith.constant 384 : i32
    %dma_start3A_64 = arith.constant 0 : i32
    %dma_start3A_65 = tpu.memref_slice %arg6[%dma_start3A_62, %dma_start3A_63, %dma_start3A_64] : memref<2x512x64xf32, #tpu.memory_space<vmem>> -> memref<1x128x64xf32, #tpu.memory_space<vmem>>
    %dma_start3A_66 = tpu.memref_squeeze %dma_start3A_65 : memref<1x128x64xf32, #tpu.memory_space<vmem>> -> memref<128x64xf32, #tpu.memory_space<vmem>>
    %dma_start3A_67 = arith.constant 0 : i32
    %dma_start3A_68 = tpu.memref_slice %arg5[%dma_start3A_60, %dma_start3A_61, %dma_start3A_67] : memref<2x4x128xi32, #tpu.memory_space<vmem>> -> memref<1x1x128xi32, #tpu.memory_space<vmem>>
    %dma_start3A_69 = tpu.memref_squeeze %dma_start3A_68 : memref<1x1x128xi32, #tpu.memory_space<vmem>> -> memref<128xi32, #tpu.memory_space<vmem>>
    %dma_start3A_70 = arith.constant 0 : i32
    %dma_start3A_71 = arith.constant 0 : i32
    %dma_start3A_72 = tpu.memref_slice %arg3[%dma_start3A_70, %dma_start3A_71] : memref<1000000x64xf32, #tpu.memory_space<hbm>> -> memref<1000000x64xf32, #tpu.memory_space<hbm>>
    tpu.enqueue_indirect_dma source(%dma_start3A_72 : memref<1000000x64xf32, #tpu.memory_space<hbm>>) target(%dma_start3A_66 : memref<128x64xf32, #tpu.memory_space<vmem>>) offsets(%dma_start3A_69 : memref<128xi32, #tpu.memory_space<vmem>>) semaphore(%arg7 : memref<!tpu.dma_semaphore, #tpu.memory_space<semaphore_mem>>)
    %scan3A = arith.constant 0 : i32
    %scan3A_73 = arith.constant 0 : i32
    %scan3A_74 = arith.constant 24 : i32
    %scan3A_75 = arith.addi %scan3A_73, %scan3A_74 : i32
    %scan3A_76 = arith.constant 1 : i32
    scf.for %scan3A_196 = %scan3A_73 to %scan3A_75 step %scan3A_76  : i32 {
      %mul3A_197 = arith.constant 2 : i32
      %mul3A_198 = arith.muli %mul3A_197, %scan3A_196 : i32
      %add3A_199 = arith.constant 1 : i32
      %add3A_200 = arith.addi %mul3A_198, %add3A_199 : i32
      %mul3A_201 = arith.constant 512 : i32
      %mul3A_202 = arith.muli %add3A_200, %mul3A_201 : i32
      %add3A_203 = arith.addi %mul3A_2, %mul3A_202 : i32
      %multiple_of3A_204 = tpu.assume_multiple %add3A_203, 512 : i32
      %jit3A_205 = arith.constant 128 : i32
      %div3A_206 = arith.divsi %multiple_of3A_204, %jit3A_205 : i32
      %sign3A_207 = arith.constant 0 : i32
      %sign3A_208 = arith.cmpi sgt, %multiple_of3A_204, %sign3A_207 : i32
      %sign3A_209 = arith.extui %sign3A_208 : i1 to i32
      %sign3A_210 = arith.constant 0 : i32
      %sign3A_211 = arith.cmpi slt, %multiple_of3A_204, %sign3A_210 : i32
      %sign3A_212 = arith.extui %sign3A_211 : i1 to i32
      %sign3A_213 = arith.subi %sign3A_209, %sign3A_212 : i32
      %sign3A_214 = arith.constant 0 : i32
      %sign3A_215 = arith.cmpi sgt, %jit3A_205, %sign3A_214 : i32
      %sign3A_216 = arith.extui %sign3A_215 : i1 to i32
      %sign3A_217 = arith.constant 0 : i32
      %sign3A_218 = arith.cmpi slt, %jit3A_205, %sign3A_217 : i32
      %sign3A_219 = arith.extui %sign3A_218 : i1 to i32
      %sign3A_220 = arith.subi %sign3A_216, %sign3A_219 : i32
      %ne3A_221 = arith.cmpi ne, %sign3A_213, %sign3A_220 : i32
      %rem3A_222 = arith.remsi %multiple_of3A_204, %jit3A_205 : i32
      %ne3A_223 = arith.constant 0 : i32
      %ne3A_224 = arith.cmpi ne, %rem3A_222, %ne3A_223 : i32
      %and3A_225 = arith.andi %ne3A_221, %ne3A_224 : i1
      %sub3A_226 = arith.constant 1 : i32
      %sub3A_227 = arith.subi %div3A_206, %sub3A_226 : i32
      %select_n3A_228 = arith.select %and3A_225, %sub3A_227, %div3A_206 : i32
      %multiple_of3A_229 = tpu.assume_multiple %select_n3A_228, 4 : i32
      %run_scoped3A_230 = arith.constant 1 : i32
      "tpu.region"() ({
        %run_scoped3A_409 = tpu.sem_alloc : memref<!tpu.dma_semaphore, #tpu.memory_space<semaphore_mem>>
        %dma_start3A_410 = arith.constant 0 : i32
        %dma_start3A_411 = arith.constant 0 : i32
        %dma_start3A_412 = tpu.memref_slice %arg5[%run_scoped3A_230, %dma_start3A_410, %dma_start3A_411] : memref<2x4x128xi32, #tpu.memory_space<vmem>> -> memref<1x4x128xi32, #tpu.memory_space<vmem>>
        %dma_start3A_413 = tpu.memref_squeeze %dma_start3A_412 : memref<1x4x128xi32, #tpu.memory_space<vmem>> -> memref<4x128xi32, #tpu.memory_space<vmem>>
        %dma_start3A_414 = arith.constant 0 : i32
        %dma_start3A_415 = tpu.memref_slice %arg2[%multiple_of3A_229, %dma_start3A_414] : memref<6400x128xi32, #tpu.memory_space<hbm>> -> memref<4x128xi32, #tpu.memory_space<hbm>>
        %dma_start3A_416 = arith.constant 0 : i32
        %dma_start3A_417 = arith.constant 0 : i32
        %dma_start3A_418 = tpu.memref_slice %arg5[%run_scoped3A_230, %dma_start3A_416, %dma_start3A_417] : memref<2x4x128xi32, #tpu.memory_space<vmem>> -> memref<1x4x128xi32, #tpu.memory_space<vmem>>
        %dma_start3A_419 = tpu.memref_squeeze %dma_start3A_418 : memref<1x4x128xi32, #tpu.memory_space<vmem>> -> memref<4x128xi32, #tpu.memory_space<vmem>>
        %dma_start3A_420 = arith.constant 0 : i32
        %dma_start3A_421 = tpu.memref_slice %arg2[%multiple_of3A_229, %dma_start3A_420] : memref<6400x128xi32, #tpu.memory_space<hbm>> -> memref<4x128xi32, #tpu.memory_space<hbm>>
        tpu.enqueue_dma source(%dma_start3A_421 : memref<4x128xi32, #tpu.memory_space<hbm>>) target(%dma_start3A_419 : memref<4x128xi32, #tpu.memory_space<vmem>>) target_semaphore(%run_scoped3A_409 : memref<!tpu.dma_semaphore, #tpu.memory_space<semaphore_mem>>)
        %dma_wait3A_422 = arith.constant 0 : i32
        %dma_wait3A_423 = arith.constant 0 : i32
        %dma_wait3A_424 = tpu.memref_slice %arg5[%run_scoped3A_230, %dma_wait3A_422, %dma_wait3A_423] : memref<2x4x128xi32, #tpu.memory_space<vmem>> -> memref<1x4x128xi32, #tpu.memory_space<vmem>>
        %dma_wait3A_425 = tpu.memref_squeeze %dma_wait3A_424 : memref<1x4x128xi32, #tpu.memory_space<vmem>> -> memref<4x128xi32, #tpu.memory_space<vmem>>
        %dma_wait3A_426 = arith.constant 0 : i32
        %dma_wait3A_427 = tpu.memref_slice %arg2[%multiple_of3A_229, %dma_wait3A_426] : memref<6400x128xi32, #tpu.memory_space<hbm>> -> memref<4x128xi32, #tpu.memory_space<hbm>>
        %dma_wait3A_428 = arith.constant 0 : i32
        %dma_wait3A_429 = arith.constant 0 : i32
        %dma_wait3A_430 = tpu.memref_slice %arg5[%run_scoped3A_230, %dma_wait3A_428, %dma_wait3A_429] : memref<2x4x128xi32, #tpu.memory_space<vmem>> -> memref<1x4x128xi32, #tpu.memory_space<vmem>>
        %dma_wait3A_431 = tpu.memref_squeeze %dma_wait3A_430 : memref<1x4x128xi32, #tpu.memory_space<vmem>> -> memref<4x128xi32, #tpu.memory_space<vmem>>
        %dma_wait3A_432 = arith.constant 0 : i32
        %dma_wait3A_433 = tpu.memref_slice %arg2[%multiple_of3A_229, %dma_wait3A_432] : memref<6400x128xi32, #tpu.memory_space<hbm>> -> memref<4x128xi32, #tpu.memory_space<hbm>>
        tpu.wait_dma2 semaphore(%run_scoped3A_409 : memref<!tpu.dma_semaphore, #tpu.memory_space<semaphore_mem>>) src(%dma_wait3A_433 : memref<4x128xi32, #tpu.memory_space<hbm>>) dst(%dma_wait3A_431 : memref<4x128xi32, #tpu.memory_space<vmem>>)
        tpu.yield
      }) : () -> ()
      %dma_start3A_231 = arith.constant 1 : i32
      %dma_start3A_232 = arith.constant 0 : i32
      %dma_start3A_233 = arith.constant 1 : i32
      %dma_start3A_234 = arith.constant 0 : i32
      %dma_start3A_235 = arith.constant 0 : i32
      %dma_start3A_236 = tpu.memref_slice %arg6[%dma_start3A_233, %dma_start3A_234, %dma_start3A_235] : memref<2x512x64xf32, #tpu.memory_space<vmem>> -> memref<1x128x64xf32, #tpu.memory_space<vmem>>
      %dma_start3A_237 = tpu.memref_squeeze %dma_start3A_236 : memref<1x128x64xf32, #tpu.memory_space<vmem>> -> memref<128x64xf32, #tpu.memory_space<vmem>>
      %dma_start3A_238 = arith.constant 0 : i32
      %dma_start3A_239 = tpu.memref_slice %arg5[%dma_start3A_231, %dma_start3A_232, %dma_start3A_238] : memref<2x4x128xi32, #tpu.memory_space<vmem>> -> memref<1x1x128xi32, #tpu.memory_space<vmem>>
      %dma_start3A_240 = tpu.memref_squeeze %dma_start3A_239 : memref<1x1x128xi32, #tpu.memory_space<vmem>> -> memref<128xi32, #tpu.memory_space<vmem>>
      %dma_start3A_241 = arith.constant 0 : i32
      %dma_start3A_242 = arith.constant 0 : i32
      %dma_start3A_243 = tpu.memref_slice %arg3[%dma_start3A_241, %dma_start3A_242] : memref<1000000x64xf32, #tpu.memory_space<hbm>> -> memref<1000000x64xf32, #tpu.memory_space<hbm>>
      tpu.enqueue_indirect_dma source(%dma_start3A_243 : memref<1000000x64xf32, #tpu.memory_space<hbm>>) target(%dma_start3A_237 : memref<128x64xf32, #tpu.memory_space<vmem>>) offsets(%dma_start3A_240 : memref<128xi32, #tpu.memory_space<vmem>>) semaphore(%arg8 : memref<!tpu.dma_semaphore, #tpu.memory_space<semaphore_mem>>)
      %dma_start3A_244 = arith.constant 1 : i32
      %dma_start3A_245 = arith.constant 1 : i32
      %dma_start3A_246 = arith.constant 1 : i32
      %dma_start3A_247 = arith.constant 128 : i32
      %dma_start3A_248 = arith.constant 0 : i32
      %dma_start3A_249 = tpu.memref_slice %arg6[%dma_start3A_246, %dma_start3A_247, %dma_start3A_248] : memref<2x512x64xf32, #tpu.memory_space<vmem>> -> memref<1x128x64xf32, #tpu.memory_space<vmem>>
      %dma_start3A_250 = tpu.memref_squeeze %dma_start3A_249 : memref<1x128x64xf32, #tpu.memory_space<vmem>> -> memref<128x64xf32, #tpu.memory_space<vmem>>
      %dma_start3A_251 = arith.constant 0 : i32
      %dma_start3A_252 = tpu.memref_slice %arg5[%dma_start3A_244, %dma_start3A_245, %dma_start3A_251] : memref<2x4x128xi32, #tpu.memory_space<vmem>> -> memref<1x1x128xi32, #tpu.memory_space<vmem>>
      %dma_start3A_253 = tpu.memref_squeeze %dma_start3A_252 : memref<1x1x128xi32, #tpu.memory_space<vmem>> -> memref<128xi32, #tpu.memory_space<vmem>>
      %dma_start3A_254 = arith.constant 0 : i32
      %dma_start3A_255 = arith.constant 0 : i32
      %dma_start3A_256 = tpu.memref_slice %arg3[%dma_start3A_254, %dma_start3A_255] : memref<1000000x64xf32, #tpu.memory_space<hbm>> -> memref<1000000x64xf32, #tpu.memory_space<hbm>>
      tpu.enqueue_indirect_dma source(%dma_start3A_256 : memref<1000000x64xf32, #tpu.memory_space<hbm>>) target(%dma_start3A_250 : memref<128x64xf32, #tpu.memory_space<vmem>>) offsets(%dma_start3A_253 : memref<128xi32, #tpu.memory_space<vmem>>) semaphore(%arg8 : memref<!tpu.dma_semaphore, #tpu.memory_space<semaphore_mem>>)
      %dma_start3A_257 = arith.constant 1 : i32
      %dma_start3A_258 = arith.constant 2 : i32
      %dma_start3A_259 = arith.constant 1 : i32
      %dma_start3A_260 = arith.constant 256 : i32
      %dma_start3A_261 = arith.constant 0 : i32
      %dma_start3A_262 = tpu.memref_slice %arg6[%dma_start3A_259, %dma_start3A_260, %dma_start3A_261] : memref<2x512x64xf32, #tpu.memory_space<vmem>> -> memref<1x128x64xf32, #tpu.memory_space<vmem>>
      %dma_start3A_263 = tpu.memref_squeeze %dma_start3A_262 : memref<1x128x64xf32, #tpu.memory_space<vmem>> -> memref<128x64xf32, #tpu.memory_space<vmem>>
      %dma_start3A_264 = arith.constant 0 : i32
      %dma_start3A_265 = tpu.memref_slice %arg5[%dma_start3A_257, %dma_start3A_258, %dma_start3A_264] : memref<2x4x128xi32, #tpu.memory_space<vmem>> -> memref<1x1x128xi32, #tpu.memory_space<vmem>>
      %dma_start3A_266 = tpu.memref_squeeze %dma_start3A_265 : memref<1x1x128xi32, #tpu.memory_space<vmem>> -> memref<128xi32, #tpu.memory_space<vmem>>
      %dma_start3A_267 = arith.constant 0 : i32
      %dma_start3A_268 = arith.constant 0 : i32
      %dma_start3A_269 = tpu.memref_slice %arg3[%dma_start3A_267, %dma_start3A_268] : memref<1000000x64xf32, #tpu.memory_space<hbm>> -> memref<1000000x64xf32, #tpu.memory_space<hbm>>
      tpu.enqueue_indirect_dma source(%dma_start3A_269 : memref<1000000x64xf32, #tpu.memory_space<hbm>>) target(%dma_start3A_263 : memref<128x64xf32, #tpu.memory_space<vmem>>) offsets(%dma_start3A_266 : memref<128xi32, #tpu.memory_space<vmem>>) semaphore(%arg8 : memref<!tpu.dma_semaphore, #tpu.memory_space<semaphore_mem>>)
      %dma_start3A_270 = arith.constant 1 : i32
      %dma_start3A_271 = arith.constant 3 : i32
      %dma_start3A_272 = arith.constant 1 : i32
      %dma_start3A_273 = arith.constant 384 : i32
      %dma_start3A_274 = arith.constant 0 : i32
      %dma_start3A_275 = tpu.memref_slice %arg6[%dma_start3A_272, %dma_start3A_273, %dma_start3A_274] : memref<2x512x64xf32, #tpu.memory_space<vmem>> -> memref<1x128x64xf32, #tpu.memory_space<vmem>>
      %dma_start3A_276 = tpu.memref_squeeze %dma_start3A_275 : memref<1x128x64xf32, #tpu.memory_space<vmem>> -> memref<128x64xf32, #tpu.memory_space<vmem>>
      %dma_start3A_277 = arith.constant 0 : i32
      %dma_start3A_278 = tpu.memref_slice %arg5[%dma_start3A_270, %dma_start3A_271, %dma_start3A_277] : memref<2x4x128xi32, #tpu.memory_space<vmem>> -> memref<1x1x128xi32, #tpu.memory_space<vmem>>
      %dma_start3A_279 = tpu.memref_squeeze %dma_start3A_278 : memref<1x1x128xi32, #tpu.memory_space<vmem>> -> memref<128xi32, #tpu.memory_space<vmem>>
      %dma_start3A_280 = arith.constant 0 : i32
      %dma_start3A_281 = arith.constant 0 : i32
      %dma_start3A_282 = tpu.memref_slice %arg3[%dma_start3A_280, %dma_start3A_281] : memref<1000000x64xf32, #tpu.memory_space<hbm>> -> memref<1000000x64xf32, #tpu.memory_space<hbm>>
      tpu.enqueue_indirect_dma source(%dma_start3A_282 : memref<1000000x64xf32, #tpu.memory_space<hbm>>) target(%dma_start3A_276 : memref<128x64xf32, #tpu.memory_space<vmem>>) offsets(%dma_start3A_279 : memref<128xi32, #tpu.memory_space<vmem>>) semaphore(%arg8 : memref<!tpu.dma_semaphore, #tpu.memory_space<semaphore_mem>>)
      %dma_wait3A_283 = arith.constant 0 : i32
      %dma_wait3A_284 = arith.constant 0 : i32
      %dma_wait3A_285 = arith.constant 0 : i32
      %dma_wait3A_286 = tpu.memref_slice %arg6[%dma_wait3A_283, %dma_wait3A_284, %dma_wait3A_285] : memref<2x512x64xf32, #tpu.memory_space<vmem>> -> memref<1x512x64xf32, #tpu.memory_space<vmem>>
      %dma_wait3A_287 = tpu.memref_squeeze %dma_wait3A_286 : memref<1x512x64xf32, #tpu.memory_space<vmem>> -> memref<512x64xf32, #tpu.memory_space<vmem>>
      %dma_wait3A_288 = arith.constant 0 : i32
      %dma_wait3A_289 = arith.constant 0 : i32
      %dma_wait3A_290 = tpu.memref_slice %arg4[%dma_wait3A_288, %dma_wait3A_289] : memref<819200x64xf32, #tpu.memory_space<hbm>> -> memref<512x64xf32, #tpu.memory_space<hbm>>
      %dma_wait3A_291 = arith.constant 0 : i32
      %dma_wait3A_292 = arith.constant 0 : i32
      %dma_wait3A_293 = tpu.memref_slice %arg6[%dma_wait3A_283, %dma_wait3A_291, %dma_wait3A_292] : memref<2x512x64xf32, #tpu.memory_space<vmem>> -> memref<1x512x64xf32, #tpu.memory_space<vmem>>
      %dma_wait3A_294 = tpu.memref_squeeze %dma_wait3A_293 : memref<1x512x64xf32, #tpu.memory_space<vmem>> -> memref<512x64xf32, #tpu.memory_space<vmem>>
      %dma_wait3A_295 = arith.constant 0 : i32
      %dma_wait3A_296 = arith.constant 0 : i32
      %dma_wait3A_297 = tpu.memref_slice %arg4[%dma_wait3A_295, %dma_wait3A_296] : memref<819200x64xf32, #tpu.memory_space<hbm>> -> memref<512x64xf32, #tpu.memory_space<hbm>>
      tpu.wait_dma2 semaphore(%arg7 : memref<!tpu.dma_semaphore, #tpu.memory_space<semaphore_mem>>) src(%dma_wait3A_297 : memref<512x64xf32, #tpu.memory_space<hbm>>) dst(%dma_wait3A_294 : memref<512x64xf32, #tpu.memory_space<vmem>>)
      %mul3A_298 = arith.constant 512 : i32
      %mul3A_299 = arith.muli %mul3A_198, %mul3A_298 : i32
      %add3A_300 = arith.addi %mul3A_2, %mul3A_299 : i32
      %multiple_of3A_301 = tpu.assume_multiple %add3A_300, 512 : i32
      %run_scoped3A_302 = arith.constant 0 : i32
      "tpu.region"() ({
        %run_scoped3A_409 = tpu.sem_alloc : memref<!tpu.dma_semaphore, #tpu.memory_space<semaphore_mem>>
        %dma_start3A_410 = arith.constant 0 : i32
        %dma_start3A_411 = arith.constant 0 : i32
        %dma_start3A_412 = tpu.memref_slice %arg6[%run_scoped3A_302, %dma_start3A_410, %dma_start3A_411] : memref<2x512x64xf32, #tpu.memory_space<vmem>> -> memref<1x512x64xf32, #tpu.memory_space<vmem>>
        %dma_start3A_413 = tpu.memref_squeeze %dma_start3A_412 : memref<1x512x64xf32, #tpu.memory_space<vmem>> -> memref<512x64xf32, #tpu.memory_space<vmem>>
        %dma_start3A_414 = arith.constant 0 : i32
        %dma_start3A_415 = tpu.memref_slice %arg4[%multiple_of3A_301, %dma_start3A_414] : memref<819200x64xf32, #tpu.memory_space<hbm>> -> memref<512x64xf32, #tpu.memory_space<hbm>>
        %dma_start3A_416 = arith.constant 0 : i32
        %dma_start3A_417 = tpu.memref_slice %arg4[%multiple_of3A_301, %dma_start3A_416] : memref<819200x64xf32, #tpu.memory_space<hbm>> -> memref<512x64xf32, #tpu.memory_space<hbm>>
        %dma_start3A_418 = arith.constant 0 : i32
        %dma_start3A_419 = arith.constant 0 : i32
        %dma_start3A_420 = tpu.memref_slice %arg6[%run_scoped3A_302, %dma_start3A_418, %dma_start3A_419] : memref<2x512x64xf32, #tpu.memory_space<vmem>> -> memref<1x512x64xf32, #tpu.memory_space<vmem>>
        %dma_start3A_421 = tpu.memref_squeeze %dma_start3A_420 : memref<1x512x64xf32, #tpu.memory_space<vmem>> -> memref<512x64xf32, #tpu.memory_space<vmem>>
        tpu.enqueue_dma source(%dma_start3A_421 : memref<512x64xf32, #tpu.memory_space<vmem>>) target(%dma_start3A_417 : memref<512x64xf32, #tpu.memory_space<hbm>>) target_semaphore(%run_scoped3A_409 : memref<!tpu.dma_semaphore, #tpu.memory_space<semaphore_mem>>)
        %dma_wait3A_422 = arith.constant 0 : i32
        %dma_wait3A_423 = arith.constant 0 : i32
        %dma_wait3A_424 = tpu.memref_slice %arg6[%run_scoped3A_302, %dma_wait3A_422, %dma_wait3A_423] : memref<2x512x64xf32, #tpu.memory_space<vmem>> -> memref<1x512x64xf32, #tpu.memory_space<vmem>>
        %dma_wait3A_425 = tpu.memref_squeeze %dma_wait3A_424 : memref<1x512x64xf32, #tpu.memory_space<vmem>> -> memref<512x64xf32, #tpu.memory_space<vmem>>
        %dma_wait3A_426 = arith.constant 0 : i32
        %dma_wait3A_427 = tpu.memref_slice %arg4[%multiple_of3A_301, %dma_wait3A_426] : memref<819200x64xf32, #tpu.memory_space<hbm>> -> memref<512x64xf32, #tpu.memory_space<hbm>>
        %dma_wait3A_428 = arith.constant 0 : i32
        %dma_wait3A_429 = tpu.memref_slice %arg4[%multiple_of3A_301, %dma_wait3A_428] : memref<819200x64xf32, #tpu.memory_space<hbm>> -> memref<512x64xf32, #tpu.memory_space<hbm>>
        %dma_wait3A_430 = arith.constant 0 : i32
        %dma_wait3A_431 = arith.constant 0 : i32
        %dma_wait3A_432 = tpu.memref_slice %arg6[%run_scoped3A_302, %dma_wait3A_430, %dma_wait3A_431] : memref<2x512x64xf32, #tpu.memory_space<vmem>> -> memref<1x512x64xf32, #tpu.memory_space<vmem>>
        %dma_wait3A_433 = tpu.memref_squeeze %dma_wait3A_432 : memref<1x512x64xf32, #tpu.memory_space<vmem>> -> memref<512x64xf32, #tpu.memory_space<vmem>>
        tpu.wait_dma2 semaphore(%run_scoped3A_409 : memref<!tpu.dma_semaphore, #tpu.memory_space<semaphore_mem>>) src(%dma_wait3A_433 : memref<512x64xf32, #tpu.memory_space<vmem>>) dst(%dma_wait3A_429 : memref<512x64xf32, #tpu.memory_space<hbm>>)
        tpu.yield
      }) : () -> ()
      %add3A_303 = arith.constant 2 : i32
      %add3A_304 = arith.addi %mul3A_198, %add3A_303 : i32
      %mul3A_305 = arith.constant 512 : i32
      %mul3A_306 = arith.muli %add3A_304, %mul3A_305 : i32
      %add3A_307 = arith.addi %mul3A_2, %mul3A_306 : i32
      %multiple_of3A_308 = tpu.assume_multiple %add3A_307, 512 : i32
      %jit3A_309 = arith.constant 128 : i32
      %div3A_310 = arith.divsi %multiple_of3A_308, %jit3A_309 : i32
      %sign3A_311 = arith.constant 0 : i32
      %sign3A_312 = arith.cmpi sgt, %multiple_of3A_308, %sign3A_311 : i32
      %sign3A_313 = arith.extui %sign3A_312 : i1 to i32
      %sign3A_314 = arith.constant 0 : i32
      %sign3A_315 = arith.cmpi slt, %multiple_of3A_308, %sign3A_314 : i32
      %sign3A_316 = arith.extui %sign3A_315 : i1 to i32
      %sign3A_317 = arith.subi %sign3A_313, %sign3A_316 : i32
      %sign3A_318 = arith.constant 0 : i32
      %sign3A_319 = arith.cmpi sgt, %jit3A_309, %sign3A_318 : i32
      %sign3A_320 = arith.extui %sign3A_319 : i1 to i32
      %sign3A_321 = arith.constant 0 : i32
      %sign3A_322 = arith.cmpi slt, %jit3A_309, %sign3A_321 : i32
      %sign3A_323 = arith.extui %sign3A_322 : i1 to i32
      %sign3A_324 = arith.subi %sign3A_320, %sign3A_323 : i32
      %ne3A_325 = arith.cmpi ne, %sign3A_317, %sign3A_324 : i32
      %rem3A_326 = arith.remsi %multiple_of3A_308, %jit3A_309 : i32
      %ne3A_327 = arith.constant 0 : i32
      %ne3A_328 = arith.cmpi ne, %rem3A_326, %ne3A_327 : i32
      %and3A_329 = arith.andi %ne3A_325, %ne3A_328 : i1
      %sub3A_330 = arith.constant 1 : i32
      %sub3A_331 = arith.subi %div3A_310, %sub3A_330 : i32
      %select_n3A_332 = arith.select %and3A_329, %sub3A_331, %div3A_310 : i32
      %multiple_of3A_333 = tpu.assume_multiple %select_n3A_332, 4 : i32
      %run_scoped3A_334 = arith.constant 0 : i32
      "tpu.region"() ({
        %run_scoped3A_409 = tpu.sem_alloc : memref<!tpu.dma_semaphore, #tpu.memory_space<semaphore_mem>>
        %dma_start3A_410 = arith.constant 0 : i32
        %dma_start3A_411 = arith.constant 0 : i32
        %dma_start3A_412 = tpu.memref_slice %arg5[%run_scoped3A_334, %dma_start3A_410, %dma_start3A_411] : memref<2x4x128xi32, #tpu.memory_space<vmem>> -> memref<1x4x128xi32, #tpu.memory_space<vmem>>
        %dma_start3A_413 = tpu.memref_squeeze %dma_start3A_412 : memref<1x4x128xi32, #tpu.memory_space<vmem>> -> memref<4x128xi32, #tpu.memory_space<vmem>>
        %dma_start3A_414 = arith.constant 0 : i32
        %dma_start3A_415 = tpu.memref_slice %arg2[%multiple_of3A_333, %dma_start3A_414] : memref<6400x128xi32, #tpu.memory_space<hbm>> -> memref<4x128xi32, #tpu.memory_space<hbm>>
        %dma_start3A_416 = arith.constant 0 : i32
        %dma_start3A_417 = arith.constant 0 : i32
        %dma_start3A_418 = tpu.memref_slice %arg5[%run_scoped3A_334, %dma_start3A_416, %dma_start3A_417] : memref<2x4x128xi32, #tpu.memory_space<vmem>> -> memref<1x4x128xi32, #tpu.memory_space<vmem>>
        %dma_start3A_419 = tpu.memref_squeeze %dma_start3A_418 : memref<1x4x128xi32, #tpu.memory_space<vmem>> -> memref<4x128xi32, #tpu.memory_space<vmem>>
        %dma_start3A_420 = arith.constant 0 : i32
        %dma_start3A_421 = tpu.memref_slice %arg2[%multiple_of3A_333, %dma_start3A_420] : memref<6400x128xi32, #tpu.memory_space<hbm>> -> memref<4x128xi32, #tpu.memory_space<hbm>>
        tpu.enqueue_dma source(%dma_start3A_421 : memref<4x128xi32, #tpu.memory_space<hbm>>) target(%dma_start3A_419 : memref<4x128xi32, #tpu.memory_space<vmem>>) target_semaphore(%run_scoped3A_409 : memref<!tpu.dma_semaphore, #tpu.memory_space<semaphore_mem>>)
        %dma_wait3A_422 = arith.constant 0 : i32
        %dma_wait3A_423 = arith.constant 0 : i32
        %dma_wait3A_424 = tpu.memref_slice %arg5[%run_scoped3A_334, %dma_wait3A_422, %dma_wait3A_423] : memref<2x4x128xi32, #tpu.memory_space<vmem>> -> memref<1x4x128xi32, #tpu.memory_space<vmem>>
        %dma_wait3A_425 = tpu.memref_squeeze %dma_wait3A_424 : memref<1x4x128xi32, #tpu.memory_space<vmem>> -> memref<4x128xi32, #tpu.memory_space<vmem>>
        %dma_wait3A_426 = arith.constant 0 : i32
        %dma_wait3A_427 = tpu.memref_slice %arg2[%multiple_of3A_333, %dma_wait3A_426] : memref<6400x128xi32, #tpu.memory_space<hbm>> -> memref<4x128xi32, #tpu.memory_space<hbm>>
        %dma_wait3A_428 = arith.constant 0 : i32
        %dma_wait3A_429 = arith.constant 0 : i32
        %dma_wait3A_430 = tpu.memref_slice %arg5[%run_scoped3A_334, %dma_wait3A_428, %dma_wait3A_429] : memref<2x4x128xi32, #tpu.memory_space<vmem>> -> memref<1x4x128xi32, #tpu.memory_space<vmem>>
        %dma_wait3A_431 = tpu.memref_squeeze %dma_wait3A_430 : memref<1x4x128xi32, #tpu.memory_space<vmem>> -> memref<4x128xi32, #tpu.memory_space<vmem>>
        %dma_wait3A_432 = arith.constant 0 : i32
        %dma_wait3A_433 = tpu.memref_slice %arg2[%multiple_of3A_333, %dma_wait3A_432] : memref<6400x128xi32, #tpu.memory_space<hbm>> -> memref<4x128xi32, #tpu.memory_space<hbm>>
        tpu.wait_dma2 semaphore(%run_scoped3A_409 : memref<!tpu.dma_semaphore, #tpu.memory_space<semaphore_mem>>) src(%dma_wait3A_433 : memref<4x128xi32, #tpu.memory_space<hbm>>) dst(%dma_wait3A_431 : memref<4x128xi32, #tpu.memory_space<vmem>>)
        tpu.yield
      }) : () -> ()
      %dma_start3A_335 = arith.constant 0 : i32
      %dma_start3A_336 = arith.constant 0 : i32
      %dma_start3A_337 = arith.constant 0 : i32
      %dma_start3A_338 = arith.constant 0 : i32
      %dma_start3A_339 = arith.constant 0 : i32
      %dma_start3A_340 = tpu.memref_slice %arg6[%dma_start3A_337, %dma_start3A_338, %dma_start3A_339] : memref<2x512x64xf32, #tpu.memory_space<vmem>> -> memref<1x128x64xf32, #tpu.memory_space<vmem>>
      %dma_start3A_341 = tpu.memref_squeeze %dma_start3A_340 : memref<1x128x64xf32, #tpu.memory_space<vmem>> -> memref<128x64xf32, #tpu.memory_space<vmem>>
      %dma_start3A_342 = arith.constant 0 : i32
      %dma_start3A_343 = tpu.memref_slice %arg5[%dma_start3A_335, %dma_start3A_336, %dma_start3A_342] : memref<2x4x128xi32, #tpu.memory_space<vmem>> -> memref<1x1x128xi32, #tpu.memory_space<vmem>>
      %dma_start3A_344 = tpu.memref_squeeze %dma_start3A_343 : memref<1x1x128xi32, #tpu.memory_space<vmem>> -> memref<128xi32, #tpu.memory_space<vmem>>
      %dma_start3A_345 = arith.constant 0 : i32
      %dma_start3A_346 = arith.constant 0 : i32
      %dma_start3A_347 = tpu.memref_slice %arg3[%dma_start3A_345, %dma_start3A_346] : memref<1000000x64xf32, #tpu.memory_space<hbm>> -> memref<1000000x64xf32, #tpu.memory_space<hbm>>
      tpu.enqueue_indirect_dma source(%dma_start3A_347 : memref<1000000x64xf32, #tpu.memory_space<hbm>>) target(%dma_start3A_341 : memref<128x64xf32, #tpu.memory_space<vmem>>) offsets(%dma_start3A_344 : memref<128xi32, #tpu.memory_space<vmem>>) semaphore(%arg7 : memref<!tpu.dma_semaphore, #tpu.memory_space<semaphore_mem>>)
      %dma_start3A_348 = arith.constant 0 : i32
      %dma_start3A_349 = arith.constant 1 : i32
      %dma_start3A_350 = arith.constant 0 : i32
      %dma_start3A_351 = arith.constant 128 : i32
      %dma_start3A_352 = arith.constant 0 : i32
      %dma_start3A_353 = tpu.memref_slice %arg6[%dma_start3A_350, %dma_start3A_351, %dma_start3A_352] : memref<2x512x64xf32, #tpu.memory_space<vmem>> -> memref<1x128x64xf32, #tpu.memory_space<vmem>>
      %dma_start3A_354 = tpu.memref_squeeze %dma_start3A_353 : memref<1x128x64xf32, #tpu.memory_space<vmem>> -> memref<128x64xf32, #tpu.memory_space<vmem>>
      %dma_start3A_355 = arith.constant 0 : i32
      %dma_start3A_356 = tpu.memref_slice %arg5[%dma_start3A_348, %dma_start3A_349, %dma_start3A_355] : memref<2x4x128xi32, #tpu.memory_space<vmem>> -> memref<1x1x128xi32, #tpu.memory_space<vmem>>
      %dma_start3A_357 = tpu.memref_squeeze %dma_start3A_356 : memref<1x1x128xi32, #tpu.memory_space<vmem>> -> memref<128xi32, #tpu.memory_space<vmem>>
      %dma_start3A_358 = arith.constant 0 : i32
      %dma_start3A_359 = arith.constant 0 : i32
      %dma_start3A_360 = tpu.memref_slice %arg3[%dma_start3A_358, %dma_start3A_359] : memref<1000000x64xf32, #tpu.memory_space<hbm>> -> memref<1000000x64xf32, #tpu.memory_space<hbm>>
      tpu.enqueue_indirect_dma source(%dma_start3A_360 : memref<1000000x64xf32, #tpu.memory_space<hbm>>) target(%dma_start3A_354 : memref<128x64xf32, #tpu.memory_space<vmem>>) offsets(%dma_start3A_357 : memref<128xi32, #tpu.memory_space<vmem>>) semaphore(%arg7 : memref<!tpu.dma_semaphore, #tpu.memory_space<semaphore_mem>>)
      %dma_start3A_361 = arith.constant 0 : i32
      %dma_start3A_362 = arith.constant 2 : i32
      %dma_start3A_363 = arith.constant 0 : i32
      %dma_start3A_364 = arith.constant 256 : i32
      %dma_start3A_365 = arith.constant 0 : i32
      %dma_start3A_366 = tpu.memref_slice %arg6[%dma_start3A_363, %dma_start3A_364, %dma_start3A_365] : memref<2x512x64xf32, #tpu.memory_space<vmem>> -> memref<1x128x64xf32, #tpu.memory_space<vmem>>
      %dma_start3A_367 = tpu.memref_squeeze %dma_start3A_366 : memref<1x128x64xf32, #tpu.memory_space<vmem>> -> memref<128x64xf32, #tpu.memory_space<vmem>>
      %dma_start3A_368 = arith.constant 0 : i32
      %dma_start3A_369 = tpu.memref_slice %arg5[%dma_start3A_361, %dma_start3A_362, %dma_start3A_368] : memref<2x4x128xi32, #tpu.memory_space<vmem>> -> memref<1x1x128xi32, #tpu.memory_space<vmem>>
      %dma_start3A_370 = tpu.memref_squeeze %dma_start3A_369 : memref<1x1x128xi32, #tpu.memory_space<vmem>> -> memref<128xi32, #tpu.memory_space<vmem>>
      %dma_start3A_371 = arith.constant 0 : i32
      %dma_start3A_372 = arith.constant 0 : i32
      %dma_start3A_373 = tpu.memref_slice %arg3[%dma_start3A_371, %dma_start3A_372] : memref<1000000x64xf32, #tpu.memory_space<hbm>> -> memref<1000000x64xf32, #tpu.memory_space<hbm>>
      tpu.enqueue_indirect_dma source(%dma_start3A_373 : memref<1000000x64xf32, #tpu.memory_space<hbm>>) target(%dma_start3A_367 : memref<128x64xf32, #tpu.memory_space<vmem>>) offsets(%dma_start3A_370 : memref<128xi32, #tpu.memory_space<vmem>>) semaphore(%arg7 : memref<!tpu.dma_semaphore, #tpu.memory_space<semaphore_mem>>)
      %dma_start3A_374 = arith.constant 0 : i32
      %dma_start3A_375 = arith.constant 3 : i32
      %dma_start3A_376 = arith.constant 0 : i32
      %dma_start3A_377 = arith.constant 384 : i32
      %dma_start3A_378 = arith.constant 0 : i32
      %dma_start3A_379 = tpu.memref_slice %arg6[%dma_start3A_376, %dma_start3A_377, %dma_start3A_378] : memref<2x512x64xf32, #tpu.memory_space<vmem>> -> memref<1x128x64xf32, #tpu.memory_space<vmem>>
      %dma_start3A_380 = tpu.memref_squeeze %dma_start3A_379 : memref<1x128x64xf32, #tpu.memory_space<vmem>> -> memref<128x64xf32, #tpu.memory_space<vmem>>
      %dma_start3A_381 = arith.constant 0 : i32
      %dma_start3A_382 = tpu.memref_slice %arg5[%dma_start3A_374, %dma_start3A_375, %dma_start3A_381] : memref<2x4x128xi32, #tpu.memory_space<vmem>> -> memref<1x1x128xi32, #tpu.memory_space<vmem>>
      %dma_start3A_383 = tpu.memref_squeeze %dma_start3A_382 : memref<1x1x128xi32, #tpu.memory_space<vmem>> -> memref<128xi32, #tpu.memory_space<vmem>>
      %dma_start3A_384 = arith.constant 0 : i32
      %dma_start3A_385 = arith.constant 0 : i32
      %dma_start3A_386 = tpu.memref_slice %arg3[%dma_start3A_384, %dma_start3A_385] : memref<1000000x64xf32, #tpu.memory_space<hbm>> -> memref<1000000x64xf32, #tpu.memory_space<hbm>>
      tpu.enqueue_indirect_dma source(%dma_start3A_386 : memref<1000000x64xf32, #tpu.memory_space<hbm>>) target(%dma_start3A_380 : memref<128x64xf32, #tpu.memory_space<vmem>>) offsets(%dma_start3A_383 : memref<128xi32, #tpu.memory_space<vmem>>) semaphore(%arg7 : memref<!tpu.dma_semaphore, #tpu.memory_space<semaphore_mem>>)
      %add3A_387 = arith.constant 1 : i32
      %add3A_388 = arith.addi %mul3A_198, %add3A_387 : i32
      %dma_wait3A_389 = arith.constant 1 : i32
      %dma_wait3A_390 = arith.constant 0 : i32
      %dma_wait3A_391 = arith.constant 0 : i32
      %dma_wait3A_392 = tpu.memref_slice %arg6[%dma_wait3A_389, %dma_wait3A_390, %dma_wait3A_391] : memref<2x512x64xf32, #tpu.memory_space<vmem>> -> memref<1x512x64xf32, #tpu.memory_space<vmem>>
      %dma_wait3A_393 = tpu.memref_squeeze %dma_wait3A_392 : memref<1x512x64xf32, #tpu.memory_space<vmem>> -> memref<512x64xf32, #tpu.memory_space<vmem>>
      %dma_wait3A_394 = arith.constant 0 : i32
      %dma_wait3A_395 = arith.constant 0 : i32
      %dma_wait3A_396 = tpu.memref_slice %arg4[%dma_wait3A_394, %dma_wait3A_395] : memref<819200x64xf32, #tpu.memory_space<hbm>> -> memref<512x64xf32, #tpu.memory_space<hbm>>
      %dma_wait3A_397 = arith.constant 0 : i32
      %dma_wait3A_398 = arith.constant 0 : i32
      %dma_wait3A_399 = tpu.memref_slice %arg6[%dma_wait3A_389, %dma_wait3A_397, %dma_wait3A_398] : memref<2x512x64xf32, #tpu.memory_space<vmem>> -> memref<1x512x64xf32, #tpu.memory_space<vmem>>
      %dma_wait3A_400 = tpu.memref_squeeze %dma_wait3A_399 : memref<1x512x64xf32, #tpu.memory_space<vmem>> -> memref<512x64xf32, #tpu.memory_space<vmem>>
      %dma_wait3A_401 = arith.constant 0 : i32
      %dma_wait3A_402 = arith.constant 0 : i32
      %dma_wait3A_403 = tpu.memref_slice %arg4[%dma_wait3A_401, %dma_wait3A_402] : memref<819200x64xf32, #tpu.memory_space<hbm>> -> memref<512x64xf32, #tpu.memory_space<hbm>>
      tpu.wait_dma2 semaphore(%arg8 : memref<!tpu.dma_semaphore, #tpu.memory_space<semaphore_mem>>) src(%dma_wait3A_403 : memref<512x64xf32, #tpu.memory_space<hbm>>) dst(%dma_wait3A_400 : memref<512x64xf32, #tpu.memory_space<vmem>>)
      %mul3A_404 = arith.constant 512 : i32
      %mul3A_405 = arith.muli %add3A_388, %mul3A_404 : i32
      %add3A_406 = arith.addi %mul3A_2, %mul3A_405 : i32
      %multiple_of3A_407 = tpu.assume_multiple %add3A_406, 512 : i32
      %run_scoped3A_408 = arith.constant 1 : i32
      "tpu.region"() ({
        %run_scoped3A_409 = tpu.sem_alloc : memref<!tpu.dma_semaphore, #tpu.memory_space<semaphore_mem>>
        %dma_start3A_410 = arith.constant 0 : i32
        %dma_start3A_411 = arith.constant 0 : i32
        %dma_start3A_412 = tpu.memref_slice %arg6[%run_scoped3A_408, %dma_start3A_410, %dma_start3A_411] : memref<2x512x64xf32, #tpu.memory_space<vmem>> -> memref<1x512x64xf32, #tpu.memory_space<vmem>>
        %dma_start3A_413 = tpu.memref_squeeze %dma_start3A_412 : memref<1x512x64xf32, #tpu.memory_space<vmem>> -> memref<512x64xf32, #tpu.memory_space<vmem>>
        %dma_start3A_414 = arith.constant 0 : i32
        %dma_start3A_415 = tpu.memref_slice %arg4[%multiple_of3A_407, %dma_start3A_414] : memref<819200x64xf32, #tpu.memory_space<hbm>> -> memref<512x64xf32, #tpu.memory_space<hbm>>
        %dma_start3A_416 = arith.constant 0 : i32
        %dma_start3A_417 = tpu.memref_slice %arg4[%multiple_of3A_407, %dma_start3A_416] : memref<819200x64xf32, #tpu.memory_space<hbm>> -> memref<512x64xf32, #tpu.memory_space<hbm>>
        %dma_start3A_418 = arith.constant 0 : i32
        %dma_start3A_419 = arith.constant 0 : i32
        %dma_start3A_420 = tpu.memref_slice %arg6[%run_scoped3A_408, %dma_start3A_418, %dma_start3A_419] : memref<2x512x64xf32, #tpu.memory_space<vmem>> -> memref<1x512x64xf32, #tpu.memory_space<vmem>>
        %dma_start3A_421 = tpu.memref_squeeze %dma_start3A_420 : memref<1x512x64xf32, #tpu.memory_space<vmem>> -> memref<512x64xf32, #tpu.memory_space<vmem>>
        tpu.enqueue_dma source(%dma_start3A_421 : memref<512x64xf32, #tpu.memory_space<vmem>>) target(%dma_start3A_417 : memref<512x64xf32, #tpu.memory_space<hbm>>) target_semaphore(%run_scoped3A_409 : memref<!tpu.dma_semaphore, #tpu.memory_space<semaphore_mem>>)
        %dma_wait3A_422 = arith.constant 0 : i32
        %dma_wait3A_423 = arith.constant 0 : i32
        %dma_wait3A_424 = tpu.memref_slice %arg6[%run_scoped3A_408, %dma_wait3A_422, %dma_wait3A_423] : memref<2x512x64xf32, #tpu.memory_space<vmem>> -> memref<1x512x64xf32, #tpu.memory_space<vmem>>
        %dma_wait3A_425 = tpu.memref_squeeze %dma_wait3A_424 : memref<1x512x64xf32, #tpu.memory_space<vmem>> -> memref<512x64xf32, #tpu.memory_space<vmem>>
        %dma_wait3A_426 = arith.constant 0 : i32
        %dma_wait3A_427 = tpu.memref_slice %arg4[%multiple_of3A_407, %dma_wait3A_426] : memref<819200x64xf32, #tpu.memory_space<hbm>> -> memref<512x64xf32, #tpu.memory_space<hbm>>
        %dma_wait3A_428 = arith.constant 0 : i32
        %dma_wait3A_429 = tpu.memref_slice %arg4[%multiple_of3A_407, %dma_wait3A_428] : memref<819200x64xf32, #tpu.memory_space<hbm>> -> memref<512x64xf32, #tpu.memory_space<hbm>>
        %dma_wait3A_430 = arith.constant 0 : i32
        %dma_wait3A_431 = arith.constant 0 : i32
        %dma_wait3A_432 = tpu.memref_slice %arg6[%run_scoped3A_408, %dma_wait3A_430, %dma_wait3A_431] : memref<2x512x64xf32, #tpu.memory_space<vmem>> -> memref<1x512x64xf32, #tpu.memory_space<vmem>>
        %dma_wait3A_433 = tpu.memref_squeeze %dma_wait3A_432 : memref<1x512x64xf32, #tpu.memory_space<vmem>> -> memref<512x64xf32, #tpu.memory_space<vmem>>
        tpu.wait_dma2 semaphore(%run_scoped3A_409 : memref<!tpu.dma_semaphore, #tpu.memory_space<semaphore_mem>>) src(%dma_wait3A_433 : memref<512x64xf32, #tpu.memory_space<vmem>>) dst(%dma_wait3A_429 : memref<512x64xf32, #tpu.memory_space<hbm>>)
        tpu.yield
      }) : () -> ()
    }
    %scan3A_77 = arith.constant 24 : i32
    %add3A_78 = arith.constant 25088 : i32
    %add3A_79 = arith.addi %mul3A_2, %add3A_78 : i32
    %multiple_of3A_80 = tpu.assume_multiple %add3A_79, 512 : i32
    %jit3A_81 = arith.constant 128 : i32
    %div3A_82 = arith.divsi %multiple_of3A_80, %jit3A_81 : i32
    %sign3A_83 = arith.constant 0 : i32
    %sign3A_84 = arith.cmpi sgt, %multiple_of3A_80, %sign3A_83 : i32
    %sign3A_85 = arith.extui %sign3A_84 : i1 to i32
    %sign3A_86 = arith.constant 0 : i32
    %sign3A_87 = arith.cmpi slt, %multiple_of3A_80, %sign3A_86 : i32
    %sign3A_88 = arith.extui %sign3A_87 : i1 to i32
    %sign3A_89 = arith.subi %sign3A_85, %sign3A_88 : i32
    %sign3A_90 = arith.constant 0 : i32
    %sign3A_91 = arith.cmpi sgt, %jit3A_81, %sign3A_90 : i32
    %sign3A_92 = arith.extui %sign3A_91 : i1 to i32
    %sign3A_93 = arith.constant 0 : i32
    %sign3A_94 = arith.cmpi slt, %jit3A_81, %sign3A_93 : i32
    %sign3A_95 = arith.extui %sign3A_94 : i1 to i32
    %sign3A_96 = arith.subi %sign3A_92, %sign3A_95 : i32
    %ne3A_97 = arith.cmpi ne, %sign3A_89, %sign3A_96 : i32
    %rem3A_98 = arith.remsi %multiple_of3A_80, %jit3A_81 : i32
    %ne3A_99 = arith.constant 0 : i32
    %ne3A_100 = arith.cmpi ne, %rem3A_98, %ne3A_99 : i32
    %and3A_101 = arith.andi %ne3A_97, %ne3A_100 : i1
    %sub3A_102 = arith.constant 1 : i32
    %sub3A_103 = arith.subi %div3A_82, %sub3A_102 : i32
    %select_n3A_104 = arith.select %and3A_101, %sub3A_103, %div3A_82 : i32
    %multiple_of3A_105 = tpu.assume_multiple %select_n3A_104, 4 : i32
    %run_scoped3A_106 = arith.constant 1 : i32
    "tpu.region"() ({
      %run_scoped3A_196 = tpu.sem_alloc : memref<!tpu.dma_semaphore, #tpu.memory_space<semaphore_mem>>
      %dma_start3A_197 = arith.constant 0 : i32
      %dma_start3A_198 = arith.constant 0 : i32
      %dma_start3A_199 = tpu.memref_slice %arg5[%run_scoped3A_106, %dma_start3A_197, %dma_start3A_198] : memref<2x4x128xi32, #tpu.memory_space<vmem>> -> memref<1x4x128xi32, #tpu.memory_space<vmem>>
      %dma_start3A_200 = tpu.memref_squeeze %dma_start3A_199 : memref<1x4x128xi32, #tpu.memory_space<vmem>> -> memref<4x128xi32, #tpu.memory_space<vmem>>
      %dma_start3A_201 = arith.constant 0 : i32
      %dma_start3A_202 = tpu.memref_slice %arg2[%multiple_of3A_105, %dma_start3A_201] : memref<6400x128xi32, #tpu.memory_space<hbm>> -> memref<4x128xi32, #tpu.memory_space<hbm>>
      %dma_start3A_203 = arith.constant 0 : i32
      %dma_start3A_204 = arith.constant 0 : i32
      %dma_start3A_205 = tpu.memref_slice %arg5[%run_scoped3A_106, %dma_start3A_203, %dma_start3A_204] : memref<2x4x128xi32, #tpu.memory_space<vmem>> -> memref<1x4x128xi32, #tpu.memory_space<vmem>>
      %dma_start3A_206 = tpu.memref_squeeze %dma_start3A_205 : memref<1x4x128xi32, #tpu.memory_space<vmem>> -> memref<4x128xi32, #tpu.memory_space<vmem>>
      %dma_start3A_207 = arith.constant 0 : i32
      %dma_start3A_208 = tpu.memref_slice %arg2[%multiple_of3A_105, %dma_start3A_207] : memref<6400x128xi32, #tpu.memory_space<hbm>> -> memref<4x128xi32, #tpu.memory_space<hbm>>
      tpu.enqueue_dma source(%dma_start3A_208 : memref<4x128xi32, #tpu.memory_space<hbm>>) target(%dma_start3A_206 : memref<4x128xi32, #tpu.memory_space<vmem>>) target_semaphore(%run_scoped3A_196 : memref<!tpu.dma_semaphore, #tpu.memory_space<semaphore_mem>>)
      %dma_wait3A_209 = arith.constant 0 : i32
      %dma_wait3A_210 = arith.constant 0 : i32
      %dma_wait3A_211 = tpu.memref_slice %arg5[%run_scoped3A_106, %dma_wait3A_209, %dma_wait3A_210] : memref<2x4x128xi32, #tpu.memory_space<vmem>> -> memref<1x4x128xi32, #tpu.memory_space<vmem>>
      %dma_wait3A_212 = tpu.memref_squeeze %dma_wait3A_211 : memref<1x4x128xi32, #tpu.memory_space<vmem>> -> memref<4x128xi32, #tpu.memory_space<vmem>>
      %dma_wait3A_213 = arith.constant 0 : i32
      %dma_wait3A_214 = tpu.memref_slice %arg2[%multiple_of3A_105, %dma_wait3A_213] : memref<6400x128xi32, #tpu.memory_space<hbm>> -> memref<4x128xi32, #tpu.memory_space<hbm>>
      %dma_wait3A_215 = arith.constant 0 : i32
      %dma_wait3A_216 = arith.constant 0 : i32
      %dma_wait3A_217 = tpu.memref_slice %arg5[%run_scoped3A_106, %dma_wait3A_215, %dma_wait3A_216] : memref<2x4x128xi32, #tpu.memory_space<vmem>> -> memref<1x4x128xi32, #tpu.memory_space<vmem>>
      %dma_wait3A_218 = tpu.memref_squeeze %dma_wait3A_217 : memref<1x4x128xi32, #tpu.memory_space<vmem>> -> memref<4x128xi32, #tpu.memory_space<vmem>>
      %dma_wait3A_219 = arith.constant 0 : i32
      %dma_wait3A_220 = tpu.memref_slice %arg2[%multiple_of3A_105, %dma_wait3A_219] : memref<6400x128xi32, #tpu.memory_space<hbm>> -> memref<4x128xi32, #tpu.memory_space<hbm>>
      tpu.wait_dma2 semaphore(%run_scoped3A_196 : memref<!tpu.dma_semaphore, #tpu.memory_space<semaphore_mem>>) src(%dma_wait3A_220 : memref<4x128xi32, #tpu.memory_space<hbm>>) dst(%dma_wait3A_218 : memref<4x128xi32, #tpu.memory_space<vmem>>)
      tpu.yield
    }) : () -> ()
    %dma_start3A_107 = arith.constant 1 : i32
    %dma_start3A_108 = arith.constant 0 : i32
    %dma_start3A_109 = arith.constant 1 : i32
    %dma_start3A_110 = arith.constant 0 : i32
    %dma_start3A_111 = arith.constant 0 : i32
    %dma_start3A_112 = tpu.memref_slice %arg6[%dma_start3A_109, %dma_start3A_110, %dma_start3A_111] : memref<2x512x64xf32, #tpu.memory_space<vmem>> -> memref<1x128x64xf32, #tpu.memory_space<vmem>>
    %dma_start3A_113 = tpu.memref_squeeze %dma_start3A_112 : memref<1x128x64xf32, #tpu.memory_space<vmem>> -> memref<128x64xf32, #tpu.memory_space<vmem>>
    %dma_start3A_114 = arith.constant 0 : i32
    %dma_start3A_115 = tpu.memref_slice %arg5[%dma_start3A_107, %dma_start3A_108, %dma_start3A_114] : memref<2x4x128xi32, #tpu.memory_space<vmem>> -> memref<1x1x128xi32, #tpu.memory_space<vmem>>
    %dma_start3A_116 = tpu.memref_squeeze %dma_start3A_115 : memref<1x1x128xi32, #tpu.memory_space<vmem>> -> memref<128xi32, #tpu.memory_space<vmem>>
    %dma_start3A_117 = arith.constant 0 : i32
    %dma_start3A_118 = arith.constant 0 : i32
    %dma_start3A_119 = tpu.memref_slice %arg3[%dma_start3A_117, %dma_start3A_118] : memref<1000000x64xf32, #tpu.memory_space<hbm>> -> memref<1000000x64xf32, #tpu.memory_space<hbm>>
    tpu.enqueue_indirect_dma source(%dma_start3A_119 : memref<1000000x64xf32, #tpu.memory_space<hbm>>) target(%dma_start3A_113 : memref<128x64xf32, #tpu.memory_space<vmem>>) offsets(%dma_start3A_116 : memref<128xi32, #tpu.memory_space<vmem>>) semaphore(%arg8 : memref<!tpu.dma_semaphore, #tpu.memory_space<semaphore_mem>>)
    %dma_start3A_120 = arith.constant 1 : i32
    %dma_start3A_121 = arith.constant 1 : i32
    %dma_start3A_122 = arith.constant 1 : i32
    %dma_start3A_123 = arith.constant 128 : i32
    %dma_start3A_124 = arith.constant 0 : i32
    %dma_start3A_125 = tpu.memref_slice %arg6[%dma_start3A_122, %dma_start3A_123, %dma_start3A_124] : memref<2x512x64xf32, #tpu.memory_space<vmem>> -> memref<1x128x64xf32, #tpu.memory_space<vmem>>
    %dma_start3A_126 = tpu.memref_squeeze %dma_start3A_125 : memref<1x128x64xf32, #tpu.memory_space<vmem>> -> memref<128x64xf32, #tpu.memory_space<vmem>>
    %dma_start3A_127 = arith.constant 0 : i32
    %dma_start3A_128 = tpu.memref_slice %arg5[%dma_start3A_120, %dma_start3A_121, %dma_start3A_127] : memref<2x4x128xi32, #tpu.memory_space<vmem>> -> memref<1x1x128xi32, #tpu.memory_space<vmem>>
    %dma_start3A_129 = tpu.memref_squeeze %dma_start3A_128 : memref<1x1x128xi32, #tpu.memory_space<vmem>> -> memref<128xi32, #tpu.memory_space<vmem>>
    %dma_start3A_130 = arith.constant 0 : i32
    %dma_start3A_131 = arith.constant 0 : i32
    %dma_start3A_132 = tpu.memref_slice %arg3[%dma_start3A_130, %dma_start3A_131] : memref<1000000x64xf32, #tpu.memory_space<hbm>> -> memref<1000000x64xf32, #tpu.memory_space<hbm>>
    tpu.enqueue_indirect_dma source(%dma_start3A_132 : memref<1000000x64xf32, #tpu.memory_space<hbm>>) target(%dma_start3A_126 : memref<128x64xf32, #tpu.memory_space<vmem>>) offsets(%dma_start3A_129 : memref<128xi32, #tpu.memory_space<vmem>>) semaphore(%arg8 : memref<!tpu.dma_semaphore, #tpu.memory_space<semaphore_mem>>)
    %dma_start3A_133 = arith.constant 1 : i32
    %dma_start3A_134 = arith.constant 2 : i32
    %dma_start3A_135 = arith.constant 1 : i32
    %dma_start3A_136 = arith.constant 256 : i32
    %dma_start3A_137 = arith.constant 0 : i32
    %dma_start3A_138 = tpu.memref_slice %arg6[%dma_start3A_135, %dma_start3A_136, %dma_start3A_137] : memref<2x512x64xf32, #tpu.memory_space<vmem>> -> memref<1x128x64xf32, #tpu.memory_space<vmem>>
    %dma_start3A_139 = tpu.memref_squeeze %dma_start3A_138 : memref<1x128x64xf32, #tpu.memory_space<vmem>> -> memref<128x64xf32, #tpu.memory_space<vmem>>
    %dma_start3A_140 = arith.constant 0 : i32
    %dma_start3A_141 = tpu.memref_slice %arg5[%dma_start3A_133, %dma_start3A_134, %dma_start3A_140] : memref<2x4x128xi32, #tpu.memory_space<vmem>> -> memref<1x1x128xi32, #tpu.memory_space<vmem>>
    %dma_start3A_142 = tpu.memref_squeeze %dma_start3A_141 : memref<1x1x128xi32, #tpu.memory_space<vmem>> -> memref<128xi32, #tpu.memory_space<vmem>>
    %dma_start3A_143 = arith.constant 0 : i32
    %dma_start3A_144 = arith.constant 0 : i32
    %dma_start3A_145 = tpu.memref_slice %arg3[%dma_start3A_143, %dma_start3A_144] : memref<1000000x64xf32, #tpu.memory_space<hbm>> -> memref<1000000x64xf32, #tpu.memory_space<hbm>>
    tpu.enqueue_indirect_dma source(%dma_start3A_145 : memref<1000000x64xf32, #tpu.memory_space<hbm>>) target(%dma_start3A_139 : memref<128x64xf32, #tpu.memory_space<vmem>>) offsets(%dma_start3A_142 : memref<128xi32, #tpu.memory_space<vmem>>) semaphore(%arg8 : memref<!tpu.dma_semaphore, #tpu.memory_space<semaphore_mem>>)
    %dma_start3A_146 = arith.constant 1 : i32
    %dma_start3A_147 = arith.constant 3 : i32
    %dma_start3A_148 = arith.constant 1 : i32
    %dma_start3A_149 = arith.constant 384 : i32
    %dma_start3A_150 = arith.constant 0 : i32
    %dma_start3A_151 = tpu.memref_slice %arg6[%dma_start3A_148, %dma_start3A_149, %dma_start3A_150] : memref<2x512x64xf32, #tpu.memory_space<vmem>> -> memref<1x128x64xf32, #tpu.memory_space<vmem>>
    %dma_start3A_152 = tpu.memref_squeeze %dma_start3A_151 : memref<1x128x64xf32, #tpu.memory_space<vmem>> -> memref<128x64xf32, #tpu.memory_space<vmem>>
    %dma_start3A_153 = arith.constant 0 : i32
    %dma_start3A_154 = tpu.memref_slice %arg5[%dma_start3A_146, %dma_start3A_147, %dma_start3A_153] : memref<2x4x128xi32, #tpu.memory_space<vmem>> -> memref<1x1x128xi32, #tpu.memory_space<vmem>>
    %dma_start3A_155 = tpu.memref_squeeze %dma_start3A_154 : memref<1x1x128xi32, #tpu.memory_space<vmem>> -> memref<128xi32, #tpu.memory_space<vmem>>
    %dma_start3A_156 = arith.constant 0 : i32
    %dma_start3A_157 = arith.constant 0 : i32
    %dma_start3A_158 = tpu.memref_slice %arg3[%dma_start3A_156, %dma_start3A_157] : memref<1000000x64xf32, #tpu.memory_space<hbm>> -> memref<1000000x64xf32, #tpu.memory_space<hbm>>
    tpu.enqueue_indirect_dma source(%dma_start3A_158 : memref<1000000x64xf32, #tpu.memory_space<hbm>>) target(%dma_start3A_152 : memref<128x64xf32, #tpu.memory_space<vmem>>) offsets(%dma_start3A_155 : memref<128xi32, #tpu.memory_space<vmem>>) semaphore(%arg8 : memref<!tpu.dma_semaphore, #tpu.memory_space<semaphore_mem>>)
    %dma_wait3A = arith.constant 0 : i32
    %dma_wait3A_159 = arith.constant 0 : i32
    %dma_wait3A_160 = arith.constant 0 : i32
    %dma_wait3A_161 = tpu.memref_slice %arg6[%dma_wait3A, %dma_wait3A_159, %dma_wait3A_160] : memref<2x512x64xf32, #tpu.memory_space<vmem>> -> memref<1x512x64xf32, #tpu.memory_space<vmem>>
    %dma_wait3A_162 = tpu.memref_squeeze %dma_wait3A_161 : memref<1x512x64xf32, #tpu.memory_space<vmem>> -> memref<512x64xf32, #tpu.memory_space<vmem>>
    %dma_wait3A_163 = arith.constant 0 : i32
    %dma_wait3A_164 = arith.constant 0 : i32
    %dma_wait3A_165 = tpu.memref_slice %arg4[%dma_wait3A_163, %dma_wait3A_164] : memref<819200x64xf32, #tpu.memory_space<hbm>> -> memref<512x64xf32, #tpu.memory_space<hbm>>
    %dma_wait3A_166 = arith.constant 0 : i32
    %dma_wait3A_167 = arith.constant 0 : i32
    %dma_wait3A_168 = tpu.memref_slice %arg6[%dma_wait3A, %dma_wait3A_166, %dma_wait3A_167] : memref<2x512x64xf32, #tpu.memory_space<vmem>> -> memref<1x512x64xf32, #tpu.memory_space<vmem>>
    %dma_wait3A_169 = tpu.memref_squeeze %dma_wait3A_168 : memref<1x512x64xf32, #tpu.memory_space<vmem>> -> memref<512x64xf32, #tpu.memory_space<vmem>>
    %dma_wait3A_170 = arith.constant 0 : i32
    %dma_wait3A_171 = arith.constant 0 : i32
    %dma_wait3A_172 = tpu.memref_slice %arg4[%dma_wait3A_170, %dma_wait3A_171] : memref<819200x64xf32, #tpu.memory_space<hbm>> -> memref<512x64xf32, #tpu.memory_space<hbm>>
    tpu.wait_dma2 semaphore(%arg7 : memref<!tpu.dma_semaphore, #tpu.memory_space<semaphore_mem>>) src(%dma_wait3A_172 : memref<512x64xf32, #tpu.memory_space<hbm>>) dst(%dma_wait3A_169 : memref<512x64xf32, #tpu.memory_space<vmem>>)
    %add3A_173 = arith.constant 24576 : i32
    %add3A_174 = arith.addi %mul3A_2, %add3A_173 : i32
    %multiple_of3A_175 = tpu.assume_multiple %add3A_174, 512 : i32
    %run_scoped3A_176 = arith.constant 0 : i32
    "tpu.region"() ({
      %run_scoped3A_196 = tpu.sem_alloc : memref<!tpu.dma_semaphore, #tpu.memory_space<semaphore_mem>>
      %dma_start3A_197 = arith.constant 0 : i32
      %dma_start3A_198 = arith.constant 0 : i32
      %dma_start3A_199 = tpu.memref_slice %arg6[%run_scoped3A_176, %dma_start3A_197, %dma_start3A_198] : memref<2x512x64xf32, #tpu.memory_space<vmem>> -> memref<1x512x64xf32, #tpu.memory_space<vmem>>
      %dma_start3A_200 = tpu.memref_squeeze %dma_start3A_199 : memref<1x512x64xf32, #tpu.memory_space<vmem>> -> memref<512x64xf32, #tpu.memory_space<vmem>>
      %dma_start3A_201 = arith.constant 0 : i32
      %dma_start3A_202 = tpu.memref_slice %arg4[%multiple_of3A_175, %dma_start3A_201] : memref<819200x64xf32, #tpu.memory_space<hbm>> -> memref<512x64xf32, #tpu.memory_space<hbm>>
      %dma_start3A_203 = arith.constant 0 : i32
      %dma_start3A_204 = tpu.memref_slice %arg4[%multiple_of3A_175, %dma_start3A_203] : memref<819200x64xf32, #tpu.memory_space<hbm>> -> memref<512x64xf32, #tpu.memory_space<hbm>>
      %dma_start3A_205 = arith.constant 0 : i32
      %dma_start3A_206 = arith.constant 0 : i32
      %dma_start3A_207 = tpu.memref_slice %arg6[%run_scoped3A_176, %dma_start3A_205, %dma_start3A_206] : memref<2x512x64xf32, #tpu.memory_space<vmem>> -> memref<1x512x64xf32, #tpu.memory_space<vmem>>
      %dma_start3A_208 = tpu.memref_squeeze %dma_start3A_207 : memref<1x512x64xf32, #tpu.memory_space<vmem>> -> memref<512x64xf32, #tpu.memory_space<vmem>>
      tpu.enqueue_dma source(%dma_start3A_208 : memref<512x64xf32, #tpu.memory_space<vmem>>) target(%dma_start3A_204 : memref<512x64xf32, #tpu.memory_space<hbm>>) target_semaphore(%run_scoped3A_196 : memref<!tpu.dma_semaphore, #tpu.memory_space<semaphore_mem>>)
      %dma_wait3A_209 = arith.constant 0 : i32
      %dma_wait3A_210 = arith.constant 0 : i32
      %dma_wait3A_211 = tpu.memref_slice %arg6[%run_scoped3A_176, %dma_wait3A_209, %dma_wait3A_210] : memref<2x512x64xf32, #tpu.memory_space<vmem>> -> memref<1x512x64xf32, #tpu.memory_space<vmem>>
      %dma_wait3A_212 = tpu.memref_squeeze %dma_wait3A_211 : memref<1x512x64xf32, #tpu.memory_space<vmem>> -> memref<512x64xf32, #tpu.memory_space<vmem>>
      %dma_wait3A_213 = arith.constant 0 : i32
      %dma_wait3A_214 = tpu.memref_slice %arg4[%multiple_of3A_175, %dma_wait3A_213] : memref<819200x64xf32, #tpu.memory_space<hbm>> -> memref<512x64xf32, #tpu.memory_space<hbm>>
      %dma_wait3A_215 = arith.constant 0 : i32
      %dma_wait3A_216 = tpu.memref_slice %arg4[%multiple_of3A_175, %dma_wait3A_215] : memref<819200x64xf32, #tpu.memory_space<hbm>> -> memref<512x64xf32, #tpu.memory_space<hbm>>
      %dma_wait3A_217 = arith.constant 0 : i32
      %dma_wait3A_218 = arith.constant 0 : i32
      %dma_wait3A_219 = tpu.memref_slice %arg6[%run_scoped3A_176, %dma_wait3A_217, %dma_wait3A_218] : memref<2x512x64xf32, #tpu.memory_space<vmem>> -> memref<1x512x64xf32, #tpu.memory_space<vmem>>
      %dma_wait3A_220 = tpu.memref_squeeze %dma_wait3A_219 : memref<1x512x64xf32, #tpu.memory_space<vmem>> -> memref<512x64xf32, #tpu.memory_space<vmem>>
      tpu.wait_dma2 semaphore(%run_scoped3A_196 : memref<!tpu.dma_semaphore, #tpu.memory_space<semaphore_mem>>) src(%dma_wait3A_220 : memref<512x64xf32, #tpu.memory_space<vmem>>) dst(%dma_wait3A_216 : memref<512x64xf32, #tpu.memory_space<hbm>>)
      tpu.yield
    }) : () -> ()
    %dma_wait3A_177 = arith.constant 1 : i32
    %dma_wait3A_178 = arith.constant 0 : i32
    %dma_wait3A_179 = arith.constant 0 : i32
    %dma_wait3A_180 = tpu.memref_slice %arg6[%dma_wait3A_177, %dma_wait3A_178, %dma_wait3A_179] : memref<2x512x64xf32, #tpu.memory_space<vmem>> -> memref<1x512x64xf32, #tpu.memory_space<vmem>>
    %dma_wait3A_181 = tpu.memref_squeeze %dma_wait3A_180 : memref<1x512x64xf32, #tpu.memory_space<vmem>> -> memref<512x64xf32, #tpu.memory_space<vmem>>
    %dma_wait3A_182 = arith.constant 0 : i32
    %dma_wait3A_183 = arith.constant 0 : i32
    %dma_wait3A_184 = tpu.memref_slice %arg4[%dma_wait3A_182, %dma_wait3A_183] : memref<819200x64xf32, #tpu.memory_space<hbm>> -> memref<512x64xf32, #tpu.memory_space<hbm>>
    %dma_wait3A_185 = arith.constant 0 : i32
    %dma_wait3A_186 = arith.constant 0 : i32
    %dma_wait3A_187 = tpu.memref_slice %arg6[%dma_wait3A_177, %dma_wait3A_185, %dma_wait3A_186] : memref<2x512x64xf32, #tpu.memory_space<vmem>> -> memref<1x512x64xf32, #tpu.memory_space<vmem>>
    %dma_wait3A_188 = tpu.memref_squeeze %dma_wait3A_187 : memref<1x512x64xf32, #tpu.memory_space<vmem>> -> memref<512x64xf32, #tpu.memory_space<vmem>>
    %dma_wait3A_189 = arith.constant 0 : i32
    %dma_wait3A_190 = arith.constant 0 : i32
    %dma_wait3A_191 = tpu.memref_slice %arg4[%dma_wait3A_189, %dma_wait3A_190] : memref<819200x64xf32, #tpu.memory_space<hbm>> -> memref<512x64xf32, #tpu.memory_space<hbm>>
    tpu.wait_dma2 semaphore(%arg8 : memref<!tpu.dma_semaphore, #tpu.memory_space<semaphore_mem>>) src(%dma_wait3A_191 : memref<512x64xf32, #tpu.memory_space<hbm>>) dst(%dma_wait3A_188 : memref<512x64xf32, #tpu.memory_space<vmem>>)
    %add3A_192 = arith.constant 25088 : i32
    %add3A_193 = arith.addi %mul3A_2, %add3A_192 : i32
    %multiple_of3A_194 = tpu.assume_multiple %add3A_193, 512 : i32
    %run_scoped3A_195 = arith.constant 1 : i32
    "tpu.region"() ({
      %run_scoped3A_196 = tpu.sem_alloc : memref<!tpu.dma_semaphore, #tpu.memory_space<semaphore_mem>>
      %dma_start3A_197 = arith.constant 0 : i32
      %dma_start3A_198 = arith.constant 0 : i32
      %dma_start3A_199 = tpu.memref_slice %arg6[%run_scoped3A_195, %dma_start3A_197, %dma_start3A_198] : memref<2x512x64xf32, #tpu.memory_space<vmem>> -> memref<1x512x64xf32, #tpu.memory_space<vmem>>
      %dma_start3A_200 = tpu.memref_squeeze %dma_start3A_199 : memref<1x512x64xf32, #tpu.memory_space<vmem>> -> memref<512x64xf32, #tpu.memory_space<vmem>>
      %dma_start3A_201 = arith.constant 0 : i32
      %dma_start3A_202 = tpu.memref_slice %arg4[%multiple_of3A_194, %dma_start3A_201] : memref<819200x64xf32, #tpu.memory_space<hbm>> -> memref<512x64xf32, #tpu.memory_space<hbm>>
      %dma_start3A_203 = arith.constant 0 : i32
      %dma_start3A_204 = tpu.memref_slice %arg4[%multiple_of3A_194, %dma_start3A_203] : memref<819200x64xf32, #tpu.memory_space<hbm>> -> memref<512x64xf32, #tpu.memory_space<hbm>>
      %dma_start3A_205 = arith.constant 0 : i32
      %dma_start3A_206 = arith.constant 0 : i32
      %dma_start3A_207 = tpu.memref_slice %arg6[%run_scoped3A_195, %dma_start3A_205, %dma_start3A_206] : memref<2x512x64xf32, #tpu.memory_space<vmem>> -> memref<1x512x64xf32, #tpu.memory_space<vmem>>
      %dma_start3A_208 = tpu.memref_squeeze %dma_start3A_207 : memref<1x512x64xf32, #tpu.memory_space<vmem>> -> memref<512x64xf32, #tpu.memory_space<vmem>>
      tpu.enqueue_dma source(%dma_start3A_208 : memref<512x64xf32, #tpu.memory_space<vmem>>) target(%dma_start3A_204 : memref<512x64xf32, #tpu.memory_space<hbm>>) target_semaphore(%run_scoped3A_196 : memref<!tpu.dma_semaphore, #tpu.memory_space<semaphore_mem>>)
      %dma_wait3A_209 = arith.constant 0 : i32
      %dma_wait3A_210 = arith.constant 0 : i32
      %dma_wait3A_211 = tpu.memref_slice %arg6[%run_scoped3A_195, %dma_wait3A_209, %dma_wait3A_210] : memref<2x512x64xf32, #tpu.memory_space<vmem>> -> memref<1x512x64xf32, #tpu.memory_space<vmem>>
      %dma_wait3A_212 = tpu.memref_squeeze %dma_wait3A_211 : memref<1x512x64xf32, #tpu.memory_space<vmem>> -> memref<512x64xf32, #tpu.memory_space<vmem>>
      %dma_wait3A_213 = arith.constant 0 : i32
      %dma_wait3A_214 = tpu.memref_slice %arg4[%multiple_of3A_194, %dma_wait3A_213] : memref<819200x64xf32, #tpu.memory_space<hbm>> -> memref<512x64xf32, #tpu.memory_space<hbm>>
      %dma_wait3A_215 = arith.constant 0 : i32
      %dma_wait3A_216 = tpu.memref_slice %arg4[%multiple_of3A_194, %dma_wait3A_215] : memref<819200x64xf32, #tpu.memory_space<hbm>> -> memref<512x64xf32, #tpu.memory_space<hbm>>
      %dma_wait3A_217 = arith.constant 0 : i32
      %dma_wait3A_218 = arith.constant 0 : i32
      %dma_wait3A_219 = tpu.memref_slice %arg6[%run_scoped3A_195, %dma_wait3A_217, %dma_wait3A_218] : memref<2x512x64xf32, #tpu.memory_space<vmem>> -> memref<1x512x64xf32, #tpu.memory_space<vmem>>
      %dma_wait3A_220 = tpu.memref_squeeze %dma_wait3A_219 : memref<1x512x64xf32, #tpu.memory_space<vmem>> -> memref<512x64xf32, #tpu.memory_space<vmem>>
      tpu.wait_dma2 semaphore(%run_scoped3A_196 : memref<!tpu.dma_semaphore, #tpu.memory_space<semaphore_mem>>) src(%dma_wait3A_220 : memref<512x64xf32, #tpu.memory_space<vmem>>) dst(%dma_wait3A_216 : memref<512x64xf32, #tpu.memory_space<hbm>>)
      tpu.yield
    }) : () -> ()
    return
  }
}

</mosaic_0001>

<sc_bundles>
// kernel: _embed.3.cloned.1.call-start
scs
__scs_entry_jumppad:
0x0: {  	(pc) =	sbr.rel $0x88, $3  }
0x1: {  	(tag) =	ssettag $0x0;
	lr =	simm.s32 $0x1  }
0x2: {  	[smem:$0x3F9F] =	sst lr;
	_ =	strace $0xD0000000  }
0x3: {  	_ = 	snop  }
0x4: {  	_ = 	snop  }
0x5: {  	_ = 	snop  }
0x6: {  	_ = 	snop  }
0x7: {  	_ = 	snop  }
__scs_overlays_trampoline_lowered:
0x8: {  	[smem:$0x3FAE] =	sst s0  }
0x9: {  	[smem:$0x3FAF] =	sst s1  }
0xa: {  	[smem:$0x3FB0] =	sst s2  }
0xb: {  	[smem:$0x3FB1] =	sst s3  }
0xc: {  	[smem:$0x3FB2] =	sst s4  }
0xd: {  	[smem:$0x3FB3] =	sst s5  }
0xe: {  	[smem:$0x3FB4] =	sst s6  }
0xf: {  	[smem:$0x3FB5] =	sst s7  }
0x10: {  	[smem:$0x3FB6] =	sst s8  }
0x11: {  	[smem:$0x3FB7] =	sst s9;
	s0 =	simm.s32 @!p0 $0x0  }
0x12: {  	s1 =	sld [smem:$0x3F9D];
	s0 =	simm.s32 @p0 $0x1  }
0x13: {  	[smem:$0x3FB8] =	sst s0;
	s0 =	simm.s32 @!p1 $0x0  }
0x14: {  	s2 =	sld [smem:$0x3F9C];
	s0 =	simm.s32 @p1 $0x1  }
0x15: {  	[smem:$0x3FB9] =	sst s0;
	s0 =	simm.s32 @!p2 $0x0  }
0x16: {  	s3 =	sld [smem:$0x3FDB];
	s0 =	simm.s32 @p2 $0x1  }
0x17: {  	s4 =	simm.s32 $0x1BF5;
	[smem:$0x3FBB] =	sst s0  }
0x18: {  	s0 =	sld [smem:$0x3F9E];
	_ =	swait.ge [sflag:s4], $0x0  }
0x19: {  	s7 =	sld [smem:$0x3F9F]  }
0x1a: {  	s8 =	sadd.s32 $0xFFFFE003, lr  }
0x1b: {  	s9 =	sadd.s32 $0xFFFFFEF7, lr;
	s5 =	simm.s32 $0xFFFFFFFF;
	p2 =	slt.u32 s8, $0xFFFFF086  }
0x1c: {  	p1 =	slt.u32 s9, $0xF7A;
	s5 =	simm.s32 @!p2 $0x0  }
0x1d: {  	s5 =	simm.s32 @p1 $0x1;
	p0 =	seq.s32 s7, s2  }
0x1e: {  	s7 =	smul.u32 @!p0 $0xF7A, s2;
	p2 =	seq.s32 @!p0 s5, $0x0  }
0x1f: {  	s9 =	smul.u32 $0xF7A, s1;
	s8 =	simm.s32 @!p0 $0x1BF5;
	p2 =	por !p2, p0  }
0x20: {  	[sflag:s8] =	ssyncset.s32 @!p0 $0xFFFFF086;
	s6 =	sadd.s32 @!p0 s3, s7;
	s7 =	simm.s32 @!p0 $0x108  }
0x21: {  	s3 =	sadd.s32 s3, s9;
	s6 =	sadd.s32 @!p0 $0x88, s6;
	s7 =	simm.s32 @p2 $0x1082  }
0x22: {  	[simem:s7], [sflag:s8] =	dma.local @!p0 [hbm:s6], $0xF7A  }
0x23: {  	s9 =	sor.u32 $0xD0000000, s2;
	s6 =	simm.s32 $0x108;
	_ =	swait.ge @!p0 [sflag:s8], $0x0  }
0x24: {  	s3 =	sadd.s32 $0x88, s3;
	s6 =	simm.s32 @!p1 $0x1082;
	[sflag:s4] =	ssyncset.s32 $0xFFFFF086  }
0x25: {  	[simem:s6], [sflag:s4] =	dma.local [hbm:s3], $0xF7A  }
0x26: {  	[smem:$0x3F9F] =	sst s1;
	(tag) =	ssettag s2;
	_ =	strace s9  }
0x27: {  	s1 =	sld [smem:$0x3FAF]  }
0x28: {  	s2 =	sld [smem:$0x3FB0]  }
0x29: {  	s4 =	sld [smem:$0x3FB2]  }
0x2a: {  	p0 =	seq.s32 s5, $0x0;
	s5 =	sld [smem:$0x3FB3]  }
0x2b: {  	s6 =	sld [smem:$0x3FB4]  }
0x2c: {  	s7 =	sld [smem:$0x3FB5]  }
0x2d: {  	s3 =	simm.s32 $0x108;
	s8 =	sld [smem:$0x3FB6]  }
0x2e: {  	s3 =	simm.s32 @!p0 $0x1082;
	s9 =	sld [smem:$0x3FB7]  }
0x2f: {  	lr =	sadd.s32 s0, s3;
	s0 =	sld [smem:$0x3FAE]  }
0x30: {  	s3 =	sld [smem:$0x3FB1]  }
0x31: {  	[smem:$0x3FBA] =	sst s10  }
0x32: {  	s10 =	sld [smem:$0x3FB8];
	_ =	sdelay $0x3  }
0x33: {  	p0 =	seq.s32 s10, $0x1;
	s10 =	sld [smem:$0x3FBA];
	_ =	sdelay $0x3  }
0x34: {  	[smem:$0x3FBA] =	sst s10  }
0x35: {  	s10 =	sld [smem:$0x3FB9];
	_ =	sdelay $0x3  }
0x36: {  	p1 =	seq.s32 s10, $0x1;
	s10 =	sld [smem:$0x3FBA];
	_ =	sdelay $0x3  }
0x37: {  	[smem:$0x3FBA] =	sst s10  }
0x38: {  	s10 =	sld [smem:$0x3FBB]  }
0x39: {  	_ = 	snop;
	(pc) =	sbr.ind lr, $3  }
0x3a: {  	_ = 	snop  }
0x3b: {  	_ = 	snop  }
0x3c: {  	p2 =	seq.s32 s10, $0x1;
	s10 =	sld [smem:$0x3FBA]  }
0x3d: {  	_ =	shalt  }
0x3e: {  	_ =	shalt  }
0x3f: {  	_ =	shalt  }
0x40: {  	_ =	shalt  }
0x41: {  	_ =	shalt  }
0x42: {  	_ =	shalt  }
0x43: {  	_ =	shalt  }
0x44: {  	_ =	shalt  }
0x45: {  	_ =	shalt  }
0x46: {  	_ =	shalt  }
0x47: {  	_ =	shalt  }
0x48: {  	_ =	shalt  }
0x49: {  	_ =	shalt  }
0x4a: {  	_ =	shalt  }
0x4b: {  	_ =	shalt  }
0x4c: {  	_ =	shalt  }
0x4d: {  	_ =	shalt  }
0x4e: {  	_ =	shalt  }
0x4f: {  	_ =	shalt  }
0x50: {  	_ =	shalt  }
0x51: {  	_ =	shalt  }
0x52: {  	_ =	shalt  }
0x53: {  	_ =	shalt  }
0x54: {  	_ =	shalt  }
0x55: {  	_ =	shalt  }
0x56: {  	_ =	shalt  }
0x57: {  	_ =	shalt  }
0x58: {  	_ =	shalt  }
0x59: {  	_ =	shalt  }
0x5a: {  	_ =	shalt  }
0x5b: {  	_ =	shalt  }
0x5c: {  	_ =	shalt  }
0x5d: {  	_ =	shalt  }
0x5e: {  	_ =	shalt  }
0x5f: {  	_ =	shalt  }
0x60: {  	_ =	shalt  }
0x61: {  	_ =	shalt  }
0x62: {  	_ =	shalt  }
0x63: {  	_ =	shalt  }
0x64: {  	_ =	shalt  }
0x65: {  	_ =	shalt  }
0x66: {  	_ =	shalt  }
0x67: {  	_ =	shalt  }
0x68: {  	_ =	shalt  }
0x69: {  	_ =	shalt  }
0x6a: {  	_ =	shalt  }
0x6b: {  	_ =	shalt  }
0x6c: {  	_ =	shalt  }
0x6d: {  	_ =	shalt  }
0x6e: {  	_ =	shalt  }
0x6f: {  	_ =	shalt  }
0x70: {  	_ =	shalt  }
0x71: {  	_ =	shalt  }
0x72: {  	_ =	shalt  }
0x73: {  	_ =	shalt  }
0x74: {  	_ =	shalt  }
0x75: {  	_ =	shalt  }
0x76: {  	_ =	shalt  }
0x77: {  	_ =	shalt  }
0x78: {  	_ =	shalt  }
0x79: {  	_ =	shalt  }
0x7a: {  	_ =	shalt  }
0x7b: {  	_ =	shalt  }
0x7c: {  	_ =	shalt  }
0x7d: {  	_ =	shalt  }
0x7e: {  	_ =	shalt  }
0x7f: {  	_ =	shalt  }
0x80: {  	_ =	shalt  }
0x81: {  	_ =	shalt  }
0x82: {  	_ =	shalt  }
0x83: {  	_ =	shalt  }
0x84: {  	_ =	shalt  }
0x85: {  	_ =	shalt  }
0x86: {  	_ =	shalt  }
0x87: {  	_ =	shalt  }
.Lfunc_end0:
.L_simem_size_0:
called_computation.1_lowered:
.L_overlay_start_0:
0x88: {  	s2 =	sld [smem:$0x3FD9]  }
0x89: {  	s3 =	sld [smem:$0x3FFE];
	_ =	sdelay $0x1  }
0x8a: {  	s1 =	srdreg.scid  }
0x8b: {  	s0 =	sand.u32 $0x1, s1  }
0x8c: {  	s17 =	sshll.u32 s0, $0xA;
	s2 =	sadd.s32 s3, s2  }
0x8d: {  	s2 =	sadd.s32 s2, s17  }
0x8e: {  	[smem:$0x3FC6] =	sst s2  }
0x8f: {  	_ = 	snop  }
0x90: {  	s2 =	sld [smem:$0x3FC9]  }
0x91: {  	s18 =	sld [smem:$0x3FD0];
	(tm) =	ssettm $0x1  }
0x92: {  	s4 =	sld [smem:$0x3FFB];
	_ =	sdelay $0x3  }
0x93: {  	_ =	strace s4  }
0x94: {  	s4 =	sld [smem:$0x3FFC];
	_ =	sdelay $0x3  }
0x95: {  	_ =	strace s4  }
0x96: {  	s4 =	sld [smem:$0x3FFD];
	_ =	sdelay $0x3  }
0x97: {  	_ =	strace s4  }
0x98: {  	_ =	strace $0x8FFFFFFF  }
0x99: {  	s19 =	sld [smem:$0x3FDB];
	_ =	sdelay $0x1  }
0x9a: {  	s5 =	simm.s32 $_scs_section_size  }
0x9b: {  	s6 =	simm.s32 $_size__tile_overlayer_lowered;
	s7 =	simm.s32 $_tile_overlayer_lowered  }
0x9c: {  	s22 =	simm.s32 $0x1BFF;
	s21 =	sshll.u32 s7, $0x1;
	s4 =	sadd.s32 s5, s19  }
0x9d: {  	s8 =	simm.s32 $0x0;
	s20 =	sshll.u32 s6, $0x1;
	s6 =	sadd.s32 s21, s4  }
0x9e: {  	[timem:s8], [sflag:s22] =	dma.local [hbm:s6], s20  }
0x9f: {  	_ =	swait.ge [sflag:s22], s20  }
0xa0: {  	s5 =	ssub.s32 $0x0, s20;
	[sflag:s22] =	ssyncset.done $0x0  }
0xa1: {  	[sflag:s22] =	ssyncadd.s32 s5;
	_ =	sdelay $0x1  }
0xa2: {  	s23 =	simm.s32 $0x1B8B  }
0xa3: {  	_ =	swait.ge [sflag:s23], $0x1  }
0xa4: {  	[sflag:s23] =	ssyncset.done $0x0  }
0xa5: {  	s25 =	simm.s32 $0x1B8E;
	s24 =	sld [smem:$0x3FFE];
	[sflag:s23] =	ssyncadd.s32 $0xFFFFFFFF  }
0xa6: {  	s26 =	simm.s32 $execute0_lowered;
	[smem:$0x3FD2] =	sst s25  }
0xa7: {  	s6 =	sshll.u32 s26, $0x1;
	_ =	strace $0x80000046;
	[dreg:$0x1] =	wrdreg $0xFFFFFFFF  }
0xa8: {  	s28 =	simm.s32 $_size_execute0_lowered;
	s4 =	sadd.s32 s4, s6;
	[dreg:$0x0] =	wrdreg $0x0  }
0xa9: {  	s6 =	sshll.u32 s28, $0x1;
	[dreg:$0x2] =	wrdreg s4  }
0xaa: {  	[dreg:$0x3] =	wrdreg s6  }
0xab: {  	[dreg:$0x4] =	wrdreg $0xC0  }
0xac: {  	_ =	task [dreg:s8], $0x5FFFF  }
0xad: {  	[dreg:$0x1] =	wrdreg $0xFFFFFFFF  }
0xae: {  	[dreg:$0x0] =	wrdreg $0x60  }
0xaf: {  	[dreg:$0x2] =	wrdreg s2  }
0xb0: {  	[dreg:$0x3] =	wrdreg s24  }
0xb1: {  	[dreg:$0x4] =	wrdreg s18  }
0xb2: {  	[dreg:$0x5] =	wrdreg $0x9  }
0xb3: {  	_ =	task.clear_ibuf [dreg:s8], $0x6FFFF;
	_ =	strace $0x90000046  }
0xb4: {  	s29 =	simm.s32 $0x9;
	_ =	strace $0x80000048  }
0xb5: {  	_ =	swait.ge [sflag:s29], $0x1  }
0xb6: {  	[sflag:s29] =	ssyncadd.s32 $0xFFFFFFFF  }
0xb7: {  	_ =	strace $0x90000048  }
0xb8: {  	_ =	sfence  }
0xb9: {  	s30 =	sld [smem:$0x0];
	_ =	sdelay $0x2  }
0xba: {  	s31 =	sshll.u32 s1, $0xD;
	s1 =	sshrl.u32 s1, $0x2  }
0xbb: {  	s3 =	sand.u32 $0x4000, s31;
	s1 =	sadd.s32 s1, s30  }
0xbc: {  	s0 =	sor.u32 s3, s0;
	s1 =	sshll.u32 s1, $0x11  }
0xbd: {  	s0 =	sor.u32 s1, s0  }
0xbe: {  	s0 =	sadd.s32 $0x8F2B, s0  }
0xbf: {  	[sflag:s0] =	ssyncadd.remote.s32 $0x1  }
0xc0: {  	_ =	sfence.sel $0xFFFF  }
0xc1: {  	[dreg:$0x0] =	wrdreg $0xFFFFFFFF;
	(pc) =	sbr.abs _section_cstart, $3  }
0xc2: {  	[dreg:$0x1] =	wrdreg $0xFFFFFFFF  }
0xc3: {  	_ =	task.clear_ibuf [dreg:s8], $0x2FFFF;
	_ =	strace $0x9FFFFFFF  }
0xc4: {  	(tm) =	ssettm $0x7FFFFFFF  }
0xc5: {  	_ =	shalt  }
tec
execute0_lowered:
.L_overlay_start_1:
0x0: {  	(tag) =	ssettag $0x1  }
0x1: {  	s1 =	rddreg [dreg:$0x0]  }
0x2: {  	s0 =	rddreg [dreg:$0x1]  }
0x3: {  	s2 =	rddreg [dreg:$0x2]  }
0x4: {  	s4 =	srdreg.scid;
	s11 =	stileid.u32;
	s3 =	simm.s32 $0x0  }
0x5: {  	s13 =	simm.s32 $0x3;
	s14 =	simm.s32 $0x80;
	s28 =	simm.s32 $0x380  }
0x6: {  	s29 =	simm.s32 $0xE400;
	s30 =	simm.s32 $0x1;
	s20 =	smul.u32 $0x320000, s11  }
0x7: {  	s5 =	sand.u32 $0x1, s4;
	s15 =	sshll.u32 s11, $0x1;
	s22 =	smul.u32 $0xC800, s11  }
0x8: {  	[smem:$0x7FF] =	sst s3;
	s4 =	sadd.s32 $0xF42C00, s0;
	s10 =	smul.u32 $0x190000, s5  }
0x9: {  	s6 =	ssub.s32 $0x2, s5;
	s7 =	sor.u32 s5, s15;
	s5 =	smul.u32 $0x6400, s5  }
0xa: {  	s31 =	simm.s32 $0x2;
	_ =	strace $0x80000047;
	s9 =	smul.u32 $0x6400, s7  }
0xb: {  	s15 =	simm.s32 $0x400;
	s8 =	sshrl.u32 s6, $0x1;
	s17 =	smul.u32 $0x190000, s7  }
0xc: {  	s16 =	ssub.s32 s6, s8;
	s5 =	sadd.s32 s5, s22;
	s22 =	simm.s32 $0x8400  }
0xd: {  	s18 =	sshrl.u32 s9, $0x3;
	s19 =	sadd.s32 $0x6200, s9;
	s6 =	sshrl.u32 s17, $0x3  }
0xe: {  	s9 =	sadd.s32 s10, s20;
	s25 =	sor.u32 $0x200, s5;
	s5 =	sadd.s32 $0x400, s5  }
0xf: {  	s17 =	simm.s32 $0x100;
	s20 =	simm.s32 $0x6400;
	s7 =	sadd.s32 s1, s18  }
0x10: {  	s21 =	sshrl.u32 s19, $0x3;
	s6 =	sadd.s32 s2, s6;
	s23 =	sshll.u32 s19, $0x3  }
0x11: {  	s9 =	sshrl.u32 s9, $0x3;
	s26 =	sshll.u32 s25, $0x3;
	s0 =	sshrl.u32 s25, $0x3  }
0x12: {  	s18 =	simm.s32 $0x4400;
	s19 =	simm.s32 $0x180;
	s25 =	simm.s32 $0x300  }
0x13: {  	[dreg:$0x5] =	wrdreg s7;
	s7 =	sadd.s32 s1, s21;
	s6 =	sadd.s32 $0x30000, s6  }
0x14: {  	s24 =	sadd.s32 s9, s2;
	s9 =	smax.u32 s16, $0x1;
	s11 =	sadd.s32 s26, s2  }
0x15: {  	s16 =	simm.s32 $0x2400;
	s21 =	simm.s32 $0x200;
	[dreg:$0x6] =	wrdreg s7  }
0x16: {  	s26 =	simm.s32 $0xC400;
	[dreg:$0x7] =	wrdreg s6;
	s6 =	sadd.s32 s2, s23  }
0x17: {  	[dreg:$0x4] =	wrdreg s24;
	s23 =	simm.s32 $0x280;
	s24 =	simm.s32 $0xA400  }
0x18: {  	[dreg:$0x8] =	wrdreg s6;
	s6 =	sadd.s32 s0, s1;
	s0 =	simm.s32 $0x0  }
.LBB2_1:
0x19: {  	s2 =	rddreg [dreg:$0x5]  }
0x1a: {  	[tilespmem:s3], [sflag:$0x3] =	stream.linear.gather [hbm4b:s2+s3], $0x200, $0x38;
	[tilespmem:$0x10400] =	vst v63  }
0x1b: {  	_ =	swait.ge [sflag:s13], $0x200  }
0x1c: {  	[sflag:s13] =	ssyncset.done $0x0  }
0x1d: {  	[sflag:s13] =	ssyncadd.s32 $0xFFFFFE00  }
0x1e: {  	[tilespmem:s15], [sflag:$0x1] =	stream.indirect.gather [hbm4b:s4+s14], $0x40, s3, s14, $0xb8;
	[tilespmem:$0x10400] =	vst v63  }
0x1f: {  	_ = 	snop  }
0x20: {  	[tilespmem:s16], [sflag:$0x1] =	stream.indirect.gather [hbm4b:s4+s14], $0x40, s14, s14, $0xb8;
	[tilespmem:$0x10400] =	vst v63  }
0x21: {  	_ = 	snop  }
0x22: {  	[tilespmem:s18], [sflag:$0x1] =	stream.indirect.gather [hbm4b:s4+s14], $0x40, s17, s14, $0xb8;
	[tilespmem:$0x10400] =	vst v63  }
0x23: {  	_ = 	snop  }
0x24: {  	[tilespmem:s20], [sflag:$0x1] =	stream.indirect.gather [hbm4b:s4+s14], $0x40, s19, s14, $0xb8;
	[tilespmem:$0x10400] =	vst v63  }
0x25: {  	_ = 	snop  }
0x26: {  	[tilespmem:s21], [sflag:$0x3] =	stream.linear.gather [hbm4b:s6+s3], $0x200, $0x38;
	[tilespmem:$0x10400] =	vst v63  }
0x27: {  	_ =	swait.ge [sflag:s13], $0x200  }
0x28: {  	[sflag:s13] =	ssyncset.done $0x0  }
0x29: {  	[sflag:s13] =	ssyncadd.s32 $0xFFFFFE00  }
0x2a: {  	[tilespmem:s22], [sflag:$0x2] =	stream.indirect.gather [hbm4b:s4+s14], $0x40, s21, s14, $0xb8;
	[tilespmem:$0x10400] =	vst v63  }
0x2b: {  	_ = 	snop  }
0x2c: {  	[tilespmem:s24], [sflag:$0x2] =	stream.indirect.gather [hbm4b:s4+s14], $0x40, s23, s14, $0xb8;
	[tilespmem:$0x10400] =	vst v63  }
0x2d: {  	_ = 	snop  }
0x2e: {  	[tilespmem:s26], [sflag:$0x2] =	stream.indirect.gather [hbm4b:s4+s14], $0x40, s25, s14, $0xb8;
	[tilespmem:$0x10400] =	vst v63  }
0x2f: {  	_ = 	snop  }
0x30: {  	[tilespmem:s29], [sflag:$0x2] =	stream.indirect.gather [hbm4b:s4+s14], $0x40, s28, s14, $0xb8;
	[tilespmem:$0x10400] =	vst v63  }
0x31: {  	_ =	swait.ge [sflag:s30], $0x8000  }
0x32: {  	s8 =	rddreg [dreg:$0x4];
	[sflag:s30] =	ssyncset.done $0x0  }
0x33: {  	[sflag:s30] =	ssyncadd.s32 $0xFFFF8000;
	s2 =	sadd.s32 $0x0, s8  }
0x34: {  	[hbm4b:s2+s3] =	stream.linear.scatter [tilespmem:s15], [sflag:$0x3], $0x8000, $0x38;
	[tilespmem:$0x10400] =	vst v63  }
0x35: {  	_ =	swait.ge [sflag:s13], $0x8000  }
0x36: {  	s10 =	sshrl.u32 s5, $0x3;
	[sflag:s13] =	ssyncset.done $0x0  }
0x37: {  	s2 =	sadd.s32 s1, s10;
	[sflag:s13] =	ssyncadd.s32 $0xFFFF8000  }
0x38: {  	[tilespmem:s3], [sflag:$0x3] =	stream.linear.gather [hbm4b:s2+s3], $0x200, $0x38;
	[tilespmem:$0x10400] =	vst v63  }
0x39: {  	_ =	swait.ge [sflag:s13], $0x200  }
0x3a: {  	[sflag:s13] =	ssyncset.done $0x0  }
0x3b: {  	[sflag:s13] =	ssyncadd.s32 $0xFFFFFE00  }
0x3c: {  	[tilespmem:s15], [sflag:$0x1] =	stream.indirect.gather [hbm4b:s4+s14], $0x40, s3, s14, $0xb8;
	[tilespmem:$0x10400] =	vst v63  }
0x3d: {  	_ = 	snop  }
0x3e: {  	[tilespmem:s16], [sflag:$0x1] =	stream.indirect.gather [hbm4b:s4+s14], $0x40, s14, s14, $0xb8;
	[tilespmem:$0x10400] =	vst v63  }
0x3f: {  	_ = 	snop  }
0x40: {  	[tilespmem:s18], [sflag:$0x1] =	stream.indirect.gather [hbm4b:s4+s14], $0x40, s17, s14, $0xb8;
	[tilespmem:$0x10400] =	vst v63  }
0x41: {  	_ = 	snop  }
0x42: {  	[tilespmem:s20], [sflag:$0x1] =	stream.indirect.gather [hbm4b:s4+s14], $0x40, s19, s14, $0xb8;
	[tilespmem:$0x10400] =	vst v63  }
0x43: {  	_ =	swait.ge [sflag:s31], $0x8000  }
0x44: {  	[sflag:s31] =	ssyncset.done $0x0  }
0x45: {  	s12 =	sadd.s32 $0x0, s11;
	[sflag:s31] =	ssyncadd.s32 $0xFFFF8000  }
0x46: {  	[hbm4b:s12+s3] =	stream.linear.scatter [tilespmem:s22], [sflag:$0x3], $0x8000, $0x38;
	[tilespmem:$0x10400] =	vst v63  }
0x47: {  	s10 =	smov.u32 s5;
	_ =	swait.ge [sflag:s13], $0x8000  }
0x48: {  	s2 =	simm.s32 $0x2000;
	s12 =	smov.u32 s6;
	[sflag:s13] =	ssyncset.done $0x0  }
.LBB2_2:
0x49: {  	[sflag:s13] =	ssyncadd.s32 $0xFFFF8000;
	s12 =	sadd.s32 $0x80, s12  }
0x4a: {  	[tilespmem:s21], [sflag:$0x3] =	stream.linear.gather [hbm4b:s12+s3], $0x200, $0x38;
	[tilespmem:$0x10400] =	vst v63  }
0x4b: {  	_ =	swait.ge [sflag:s13], $0x200  }
0x4c: {  	[sflag:s13] =	ssyncset.done $0x0  }
0x4d: {  	[sflag:s13] =	ssyncadd.s32 $0xFFFFFE00  }
0x4e: {  	[tilespmem:s22], [sflag:$0x2] =	stream.indirect.gather [hbm4b:s4+s14], $0x40, s21, s14, $0xb8;
	[tilespmem:$0x10400] =	vst v63  }
0x4f: {  	_ = 	snop  }
0x50: {  	[tilespmem:s24], [sflag:$0x2] =	stream.indirect.gather [hbm4b:s4+s14], $0x40, s23, s14, $0xb8;
	[tilespmem:$0x10400] =	vst v63  }
0x51: {  	_ = 	snop  }
0x52: {  	[tilespmem:s26], [sflag:$0x2] =	stream.indirect.gather [hbm4b:s4+s14], $0x40, s25, s14, $0xb8;
	[tilespmem:$0x10400] =	vst v63  }
0x53: {  	_ = 	snop  }
0x54: {  	[tilespmem:s29], [sflag:$0x2] =	stream.indirect.gather [hbm4b:s4+s14], $0x40, s28, s14, $0xb8;
	[tilespmem:$0x10400] =	vst v63  }
0x55: {  	_ =	swait.ge [sflag:s30], $0x8000  }
0x56: {  	s7 =	smov.u32 s2;
	s8 =	rddreg [dreg:$0x4];
	[sflag:s30] =	ssyncset.done $0x0  }
0x57: {  	[sflag:s30] =	ssyncadd.s32 $0xFFFF8000;
	s8 =	sadd.s32 s7, s8  }
0x58: {  	[hbm4b:s8+s3] =	stream.linear.scatter [tilespmem:s15], [sflag:$0x3], $0x8000, $0x38;
	[tilespmem:$0x10400] =	vst v63  }
0x59: {  	s10 =	sadd.s32 $0x400, s10;
	_ =	swait.ge [sflag:s13], $0x8000  }
0x5a: {  	s8 =	sshrl.u32 s10, $0x3;
	[sflag:s13] =	ssyncset.done $0x0  }
0x5b: {  	s8 =	sadd.s32 s1, s8;
	[sflag:s13] =	ssyncadd.s32 $0xFFFF8000  }
0x5c: {  	[tilespmem:s3], [sflag:$0x3] =	stream.linear.gather [hbm4b:s8+s3], $0x200, $0x38;
	[tilespmem:$0x10400] =	vst v63  }
0x5d: {  	_ =	swait.ge [sflag:s13], $0x200  }
0x5e: {  	[sflag:s13] =	ssyncset.done $0x0  }
0x5f: {  	[sflag:s13] =	ssyncadd.s32 $0xFFFFFE00  }
0x60: {  	[tilespmem:s15], [sflag:$0x1] =	stream.indirect.gather [hbm4b:s4+s14], $0x40, s3, s14, $0xb8;
	[tilespmem:$0x10400] =	vst v63  }
0x61: {  	_ = 	snop  }
0x62: {  	[tilespmem:s16], [sflag:$0x1] =	stream.indirect.gather [hbm4b:s4+s14], $0x40, s14, s14, $0xb8;
	[tilespmem:$0x10400] =	vst v63  }
0x63: {  	_ = 	snop  }
0x64: {  	[tilespmem:s18], [sflag:$0x1] =	stream.indirect.gather [hbm4b:s4+s14], $0x40, s17, s14, $0xb8;
	[tilespmem:$0x10400] =	vst v63  }
0x65: {  	_ = 	snop  }
0x66: {  	[tilespmem:s20], [sflag:$0x1] =	stream.indirect.gather [hbm4b:s4+s14], $0x40, s19, s14, $0xb8;
	[tilespmem:$0x10400] =	vst v63  }
0x67: {  	p0 =	sne.s32 s2, $0x2E000;
	_ =	swait.ge [sflag:s31], $0x8000  }
.Ltmp0:
0x68: {  	[sflag:s31] =	ssyncset.done $0x0;
	(pc) =	sbr.rel @p0 .LBB2_2-.Ltmp0, $4  }
0x69: {  	s7 =	sadd.s32 s7, s11;
	[sflag:s31] =	ssyncadd.s32 $0xFFFF8000  }
0x6a: {  	[hbm4b:s7+s3] =	stream.linear.scatter [tilespmem:s22], [sflag:$0x3], $0x8000, $0x38;
	[tilespmem:$0x10400] =	vst v63  }
0x6b: {  	_ =	swait.ge [sflag:s13], $0x8000  }
0x6c: {  	s2 =	sadd.s32 $0x2000, s2;
	[sflag:s13] =	ssyncset.done $0x0  }
0x6d: {  	[sflag:s13] =	ssyncadd.s32 $0xFFFF8000;
	s2 =	rddreg [dreg:$0x6]  }
0x6e: {  	[tilespmem:s21], [sflag:$0x3] =	stream.linear.gather [hbm4b:s2+s3], $0x200, $0x38;
	[tilespmem:$0x10400] =	vst v63  }
0x6f: {  	_ =	swait.ge [sflag:s13], $0x200  }
0x70: {  	[sflag:s13] =	ssyncset.done $0x0  }
0x71: {  	[sflag:s13] =	ssyncadd.s32 $0xFFFFFE00  }
0x72: {  	[tilespmem:s22], [sflag:$0x2] =	stream.indirect.gather [hbm4b:s4+s14], $0x40, s21, s14, $0xb8;
	[tilespmem:$0x10400] =	vst v63  }
0x73: {  	_ = 	snop  }
0x74: {  	[tilespmem:s24], [sflag:$0x2] =	stream.indirect.gather [hbm4b:s4+s14], $0x40, s23, s14, $0xb8;
	[tilespmem:$0x10400] =	vst v63  }
0x75: {  	_ = 	snop  }
0x76: {  	[tilespmem:s26], [sflag:$0x2] =	stream.indirect.gather [hbm4b:s4+s14], $0x40, s25, s14, $0xb8;
	[tilespmem:$0x10400] =	vst v63  }
0x77: {  	_ = 	snop  }
0x78: {  	[tilespmem:s29], [sflag:$0x2] =	stream.indirect.gather [hbm4b:s4+s14], $0x40, s28, s14, $0xb8;
	[tilespmem:$0x10400] =	vst v63  }
0x79: {  	_ =	swait.ge [sflag:s30], $0x8000  }
0x7a: {  	[sflag:s30] =	ssyncset.done $0x0  }
0x7b: {  	s10 =	rddreg [dreg:$0x7];
	[sflag:s30] =	ssyncadd.s32 $0xFFFF8000  }
0x7c: {  	[hbm4b:s10+s3] =	stream.linear.scatter [tilespmem:s15], [sflag:$0x3], $0x8000, $0x38;
	[tilespmem:$0x10400] =	vst v63  }
0x7d: {  	_ =	swait.ge [sflag:s13], $0x8000  }
0x7e: {  	[sflag:s13] =	ssyncset.done $0x0  }
0x7f: {  	[sflag:s13] =	ssyncadd.s32 $0xFFFF8000  }
0x80: {  	s0 =	sadd.s32 $0x1, s0;
	_ =	swait.ge [sflag:s31], $0x8000  }
0x81: {  	p0 =	sne.s32 s0, s9;
	[sflag:s31] =	ssyncset.done $0x0  }
.Ltmp1:
0x82: {  	s12 =	rddreg [dreg:$0x8];
	[sflag:s31] =	ssyncadd.s32 $0xFFFF8000;
	(pc) =	sbr.rel @p0 .LBB2_1-.Ltmp1, $4  }
0x83: {  	[hbm4b:s12+s3] =	stream.linear.scatter [tilespmem:s22], [sflag:$0x3], $0x8000, $0x38;
	[tilespmem:$0x10400] =	vst v63  }
0x84: {  	_ =	swait.ge [sflag:s13], $0x8000  }
0x85: {  	[sflag:s13] =	ssyncset.done $0x0  }
0x86: {  	[sflag:s13] =	ssyncadd.s32 $0xFFFF8000  }
0x87: {  	_ =	sfence.sel $0x180000  }
0x88: {  	[bflag:$0x0] =	sbarrier.arrive $0xFFFF  }
0x89: {  	_ =	strace $0x90000047  }
0x8a: {  	s0 =	stileid.u32;
	[bflag:$0x2] =	sbarrier.arrive $0xFFFF  }
0x8b: {  	p0 =	sne.s32 s0, $0x0;
	s0 =	rddreg [dreg:$0x3]  }
0x8c: {  	s0 =	sadd.s32 @!p0 $0x100000, s0  }
0x8d: {  	[sflag:s0] =	ssyncadd.tile.s32 @!p0 $0x1;
	_ =	shalt  }
.Lfunc_end2:
_tile_overlayer_lowered:
.L_overlay_start_2:
0x8e: {  	(tag) =	ssettag $0x2  }
0x8f: {  	s0 =	rddreg [dreg:$0x0];
	s2 =	stileid.u32  }
0x90: {  	s1 =	rddreg [dreg:$0x1];
	p0 =	sne.s32 s2, $0x0  }
0x91: {  	s3 =	rddreg [dreg:$0x2];
	[bflag:$0x3] =	sbarrier.arrive $0xFFFF;
	s2 =	simm.s32 @!p0 $0x1C03  }
0x92: {  	[timem:s3], [sflag:s2] =	dma.local @!p0 [hbm:s0], s1  }
0x93: {  	s0 =	simm.s32 @!p0 $0x3  }
0x94: {  	_ =	swait.ge @!p0 [sflag:s0], s1  }
0x95: {  	s1 =	ssub.s32 @!p0 $0x0, s1;
	[sflag:s0] =	ssyncset.done @!p0 $0x0  }
0x96: {  	[sflag:s0] =	ssyncadd.s32 @!p0 s1  }
0x97: {  	[bflag:$0x3] =	sbarrier.arrive $0xFFFF  }
0x98: {  	_ =	shalt  }

// kernel: sparse-core-data-format-call.cloned.1.call-start
scs
called_computation_lowered:
.L_overlay_start_0:
0x0: {  	s2 =	sld [smem:$0x3FD9]  }
0x1: {  	s3 =	sld [smem:$0x3FFE];
	_ =	sdelay $0x1  }
0x2: {  	s1 =	srdreg.scid  }
0x3: {  	s0 =	sand.u32 $0x1, s1  }
0x4: {  	s18 =	sshll.u32 s0, $0xA;
	s2 =	sadd.s32 s3, s2  }
0x5: {  	s2 =	sadd.s32 s2, s18  }
0x6: {  	[smem:$0x3FC6] =	sst s2  }
0x7: {  	_ = 	snop  }
0x8: {  	s2 =	sld [smem:$0x3FD0];
	(tm) =	ssettm $0x1  }
0x9: {  	s19 =	sld [smem:$0x3FFB];
	_ =	sdelay $0x3  }
0xa: {  	_ =	strace s19  }
0xb: {  	s3 =	sld [smem:$0x3FFC];
	_ =	sdelay $0x3  }
0xc: {  	_ =	strace s3  }
0xd: {  	s3 =	sld [smem:$0x3FFD];
	_ =	sdelay $0x3  }
0xe: {  	_ =	strace s3  }
0xf: {  	_ =	strace $0x8FFFFFFF  }
0x10: {  	s20 =	sld [smem:$0x3FDB];
	_ =	sdelay $0x1  }
0x11: {  	s4 =	simm.s32 $_scs_section_size  }
0x12: {  	s5 =	simm.s32 $_size__tile_overlayer_lowered;
	s6 =	simm.s32 $_tile_overlayer_lowered  }
0x13: {  	s23 =	simm.s32 $0x1BFF;
	s22 =	sshll.u32 s6, $0x1;
	s3 =	sadd.s32 s4, s20  }
0x14: {  	s7 =	simm.s32 $0x0;
	s21 =	sshll.u32 s5, $0x1;
	s5 =	sadd.s32 s22, s3  }
0x15: {  	[timem:s7], [sflag:s23] =	dma.local [hbm:s5], s21  }
0x16: {  	_ =	swait.ge [sflag:s23], s21  }
0x17: {  	s4 =	ssub.s32 $0x0, s21;
	[sflag:s23] =	ssyncset.done $0x0  }
0x18: {  	[sflag:s23] =	ssyncadd.s32 s4;
	_ =	sdelay $0x1  }
0x19: {  	s24 =	simm.s32 $0x1B8B  }
0x1a: {  	_ =	swait.ge [sflag:s24], $0x1  }
0x1b: {  	[sflag:s24] =	ssyncset.done $0x0  }
0x1c: {  	s26 =	simm.s32 $0x1B8E;
	s25 =	sld [smem:$0x3FFE];
	[sflag:s24] =	ssyncadd.s32 $0xFFFFFFFF  }
0x1d: {  	s27 =	simm.s32 $execute0_lowered;
	[smem:$0x3FD2] =	sst s26  }
0x1e: {  	s5 =	sshll.u32 s27, $0x1;
	_ =	strace $0x80000049;
	[dreg:$0x1] =	wrdreg $0xFFFFFFFF  }
0x1f: {  	s28 =	simm.s32 $_size_execute0_lowered;
	s3 =	sadd.s32 s3, s5;
	[dreg:$0x0] =	wrdreg $0x0  }
0x20: {  	s5 =	sshll.u32 s28, $0x1;
	[dreg:$0x2] =	wrdreg s3  }
0x21: {  	[dreg:$0x3] =	wrdreg s5  }
0x22: {  	[dreg:$0x4] =	wrdreg $0xC0  }
0x23: {  	_ =	task [dreg:s7], $0x5FFFF  }
0x24: {  	[dreg:$0x1] =	wrdreg $0xFFFFFFFF  }
0x25: {  	[dreg:$0x0] =	wrdreg $0x60  }
0x26: {  	[dreg:$0x2] =	wrdreg s25  }
0x27: {  	[dreg:$0x3] =	wrdreg s2  }
0x28: {  	[dreg:$0x4] =	wrdreg $0x9  }
0x29: {  	_ =	task.clear_ibuf [dreg:s7], $0x5FFFF;
	_ =	strace $0x90000049  }
0x2a: {  	s29 =	simm.s32 $0x9;
	_ =	strace $0x8000004B  }
0x2b: {  	_ =	swait.ge [sflag:s29], $0x1  }
0x2c: {  	[sflag:s29] =	ssyncadd.s32 $0xFFFFFFFF  }
0x2d: {  	_ =	strace $0x9000004B  }
0x2e: {  	_ =	sfence  }
0x2f: {  	s30 =	sld [smem:$0x0];
	_ =	sdelay $0x2  }
0x30: {  	s31 =	sshll.u32 s1, $0xD;
	s1 =	sshrl.u32 s1, $0x2  }
0x31: {  	s3 =	sand.u32 $0x4000, s31;
	s1 =	sadd.s32 s1, s30  }
0x32: {  	s0 =	sor.u32 s3, s0;
	s1 =	sshll.u32 s1, $0x11  }
0x33: {  	s0 =	sor.u32 s1, s0  }
0x34: {  	s0 =	sadd.s32 $0x8F2B, s0  }
0x35: {  	[sflag:s0] =	ssyncadd.remote.s32 $0x1  }
0x36: {  	_ =	sfence.sel $0xFFFF  }
0x37: {  	[dreg:$0x0] =	wrdreg $0xFFFFFFFF;
	(pc) =	sbr.abs _section_cstart, $3  }
0x38: {  	[dreg:$0x1] =	wrdreg $0xFFFFFFFF  }
0x39: {  	_ =	task.clear_ibuf [dreg:s7], $0x2FFFF;
	_ =	strace $0x9FFFFFFF  }
0x3a: {  	(tm) =	ssettm $0x7FFFFFFF  }
0x3b: {  	_ =	shalt  }
tec
execute0_lowered:
.L_overlay_start_1:
0x0: {  	(tag) =	ssettag $0x1  }
0x1: {  	s0 =	srdreg.scid  }
0x2: {  	s1 =	sshll.u32 s0, $0x4  }
0x3: {  	s4 =	rddreg [dreg:$0x0];
	s0 =	stileid.u32;
	s1 =	sand.u32 $0x10, s1  }
0x4: {  	s2 =	rddreg [dreg:$0x1];
	s7 =	simm.s32 $0x1;
	s1 =	sor.u32 s0, s1  }
0x5: {  	s8 =	simm.s32 $0x2;
	s11 =	simm.s32 $0x0;
	s3 =	sshll.u32 s1, $0x7  }
0x6: {  	s10 =	simm.s32 $0x0;
	s4 =	sadd.s32 $0x800, s4;
	s6 =	ssub.s32 $0xC8000, s3  }
.Ltmp0:
0x7: {  	s1 =	rddreg [dreg:$0x2];
	s5 =	sand.u32 $0xF80, s6;
	(pc) =	sbr.rel .LBB1_1-.Ltmp0, $4  }
0x8: {  	_ =	strace $0x8000004A;
	s9 =	smov.u32 s3;
	p0 =	sne.s32 s5, $0x0  }
0x9: {  	s6 =	sshrl.u32 s6, $0xC;
	s5 =	simm.s32 $0x1;
	s7 =	simm.s32 @!p0 $0x0  }
0xa: {  	[sflag:s5] =	ssyncpa.u1 $0x0;
	p0 =	por $0x0, $0x0;
	s6 =	sadd.s32 s7, s6  }
0xb: {  	[sflag:s8] =	ssyncpa.u1 $0x0;
	s8 =	simm.s32 $0x640000;
	s7 =	sadd.s32 $0x1, s6  }
.LBB1_4:
0xc: {  	s14 =	sshll.u32 s11, $0x3  }
0xd: {  	s30 =	sand.u32 $0x7F, s11;
	s15 =	sand.u32 $0xFFFFFC00, s14  }
0xe: {  	s11 =	sor.u32 s30, s15  }
0xf: {  	s15 =	smulhi.u32 $0x51EB851F, s11  }
0x10: {  	s14 =	smulhi.u32 $0x51EB851F, s14  }
0x11: {  	s15 =	sshrl.u32 s15, $0x12  }
0x12: {  	s14 =	sshrl.u32 s14, $0x12;
	s15 =	smul.u32 $0xC8000, s15  }
0x13: {  	s14 =	sand.u32 $0x3F, s14  }
0x14: {  	s14 =	smul.u32 $0x19000, s14;
	s11 =	ssub.s32 s11, s15  }
0x15: {  	[tilespmem:s13+$0x810 ss:$0x81] =	vst.msk $0xffff, v2;
	s15 =	sand.u32 $0x7, s11  }
0x16: {  	[tilespmem:s13+$0x1020 ss:$0x81] =	vst.msk $0xffff, v0;
	s14 =	sadd.s32 s2, s14;
	s11 =	sshrl.u32 s11, $0x3;
	s15 =	sshll.u32 s15, $0x12  }
0x17: {  	[tilespmem:s13+$0x0 ss:$0x81] =	vst.msk $0xffff, v1;
	s11 =	sadd.s32 s11, s14;
	s31 =	sor.u32 $0x400, s15  }
0x18: {  	[hbm4b:s11+s31] =	stream.strided.scatter [tilespmem:s12], [sflag:$0x2], $0x2000, s8, s31, $0x20;
	[tilespmem:$0x8080] =	vst v63  }
.LBB1_5:
0x19: {  	s13 =	sadd.s32 $0x1000, s9  }
0x1a: {  	p2 =	sgt.s32 s13, $0xC7FFF  }
0x1b: {  	s13 =	smov.u32 @p2 s3;
	p2 =	sne.s32 s10, s7  }
.Ltmp1:
0x1c: {  	p1 =	slt.u32 s10, $0x2;
	(pc) =	sbr.rel @!p2 .LBB1_6-.Ltmp1, $4  }
0x1d: {  	s12 =	simm.s32 @!p1 $0x2  }
0x1e: {  	s14 =	sadd.s32 $0x1, s10;
	_ =	swait.ge @!p1 [sflag:s12], $0x2000  }
0x1f: {  	s11 =	smov.u32 s9;
	p0 =	por !p0, !p0;
	[sflag:s12] =	ssyncset.done @!p1 $0x0  }
0x20: {  	s10 =	smov.u32 s14;
	s9 =	smov.u32 s13;
	[sflag:s12] =	ssyncadd.s32 @!p1 $0xFFFFE000  }
.LBB1_1:
0x21: {  	p1 =	sge.u32 s10, s6  }
0x22: {  	s12 =	sand.u32 @!p1 $0x1FFFFFF, s9  }
0x23: {  	s13 =	smulhi.u32 @!p1 $0x147AE15, s12;
	_ =	sdelay $0x1  }
0x24: {  	s13 =	sshrl.u32 @!p1 s13, $0xC  }
0x25: {  	s13 =	smul.u32 @!p1 $0xC8000, s13;
	_ =	sdelay $0x1  }
0x26: {  	s31 =	sadd.s32 $0xFFFFFFFF, s10;
	s14 =	sxor.u32 @!p1 $0xFFFFFFFF, s10;
	s12 =	ssub.s32 @!p1 s12, s13  }
0x27: {  	s15 =	simm.s32 @!p1 $0x80;
	s14 =	sshll.u32 @!p1 s14, $0xD;
	s12 =	sshll.u32 @!p1 s12, $0x4  }
0x28: {  	s13 =	sand.u32 @!p1 $0x2000, s14;
	s14 =	simm.s32 @!p1 $0x40;
	s12 =	sadd.s32 @!p1 s4, s12  }
0x29: {  	[tilespmem:s13], [sflag:$0x1] =	stream.strided.gather @!p1 [hbm4b:s12+s14], $0x2000, s15, s14, $0x38;
	[tilespmem:$0x8080] =	vst v63  }
0x2a: {  	p1 =	sge.u32 s31, s6  }
.Ltmp2:
0x2b: {  	_ = 	snop;
	(pc) =	sbr.rel @p1 .LBB1_5-.Ltmp2, $1  }
0x2c: {  	_ =	sdelay $0x3  }
0x2d: {  	s12 =	simm.s32 $0x1  }
0x2e: {  	_ =	swait.ge [sflag:s5], $0x2000;
	s12 =	simm.s32 @!p0 $0x0  }
0x2f: {  	[sflag:s5] =	ssyncset.done $0x0;
	s13 =	sshll.u32 s12, $0xD  }
0x30: {  	[sflag:s5] =	ssyncadd.s32 $0xFFFFE000;
	s16 =	sor.u32 $0x20, s13  }
0x31: {  	s12 =	smul.u32 $0x8100, s12;
	v3 =	vld [tilespmem:s16+$0x10]  }
0x32: {  	s30 =	sand.u32 $0x1, s10;
	v2 =	vld [tilespmem:s16+$0xFFFFFFF0]  }
0x33: {  	s13 =	smul.u32 $0x8100, s30;
	s12 =	sshrl.u32 s12, $0x2;
	v0 =	vld [tilespmem:s16+$0x0]  }
0x34: {  	v1 =	vld [tilespmem:s16+$0xFFFFFFE0];
	s14 =	sor.u32 $0x4000, s12  }
0x35: {  	s31 =	sshrl.u32 s13, $0x2;
	s13 =	sadd.s32 $0x0, s14  }
0x36: {  	s15 =	simm.s32 $0x4;
	s16 =	sadd.s32 $0x40, s16;
	s12 =	sor.u32 $0x4000, s31;
	[tilespmem:s13+$0x1830 ss:$0x81] =	vst.msk $0xffff, v3  }
.LBB1_3:
0x37: {  	v3 =	vld [tilespmem:s16+$0x10];
	p1 =	sne.s32 s15, $0x1FC;
	[tilespmem:s13+$0x810 ss:$0x81] =	vst.msk $0xffff, v2;
	s17 =	smov.u32 s15;
	s15 =	sadd.s32 $0x4, s15  }
.Ltmp3:
0x38: {  	v2 =	vld [tilespmem:s16+$0xFFFFFFF0];
	[tilespmem:s13+$0x1020 ss:$0x81] =	vst.msk $0xffff, v0;
	(pc) =	sbr.rel @p1 .LBB1_3-.Ltmp3, $4  }
0x39: {  	v0 =	vld [tilespmem:s16+$0x0];
	[tilespmem:s13+$0x0 ss:$0x81] =	vst.msk $0xffff, v1  }
0x3a: {  	s13 =	sshra.s32 s17, $0x2;
	v1 =	vld [tilespmem:s16+$0xFFFFFFE0]  }
0x3b: {  	s13 =	sadd.s32 s13, s14  }
0x3c: {  	s16 =	sadd.s32 $0x40, s16;
	[tilespmem:s13+$0x1830 ss:$0x81] =	vst.msk $0xffff, v3  }
.Ltmp4:
0x3d: {  	_ = 	snop;
	(pc) =	sbr.rel .LBB1_4-.Ltmp4, $1  }
0x3e: {  	_ =	sdelay $0x3  }
.LBB1_6:
0x3f: {  	_ =	sfence.sel $0x180000  }
0x40: {  	s2 =	simm.s32 $0x1;
	[bflag:$0x0] =	sbarrier.arrive $0xFFFF  }
0x41: {  	s31 =	simm.s32 $0x2;
	[sflag:s2] =	ssyncpa.u1 $0x1  }
0x42: {  	[sflag:s31] =	ssyncpa.u1 $0x1  }
0x43: {  	p0 =	sne.s32 s0, $0x0;
	_ =	strace $0x9000004A  }
0x44: {  	s0 =	sadd.s32 @!p0 $0x100000, s1;
	[bflag:$0x2] =	sbarrier.arrive $0xFFFF  }
0x45: {  	[sflag:s0] =	ssyncadd.tile.s32 @!p0 $0x1;
	_ =	shalt  }
.Lfunc_end1:
_tile_overlayer_lowered:
.L_overlay_start_2:
0x46: {  	(tag) =	ssettag $0x2  }
0x47: {  	s0 =	rddreg [dreg:$0x0];
	s2 =	stileid.u32  }
0x48: {  	s1 =	rddreg [dreg:$0x1];
	p0 =	sne.s32 s2, $0x0  }
0x49: {  	s3 =	rddreg [dreg:$0x2];
	[bflag:$0x3] =	sbarrier.arrive $0xFFFF;
	s2 =	simm.s32 @!p0 $0x1C01  }
0x4a: {  	[timem:s3], [sflag:s2] =	dma.local @!p0 [hbm:s0], s1  }
0x4b: {  	s0 =	simm.s32 @!p0 $0x1  }
0x4c: {  	_ =	swait.ge @!p0 [sflag:s0], s1  }
0x4d: {  	s1 =	ssub.s32 @!p0 $0x0, s1;
	[sflag:s0] =	ssyncset.done @!p0 $0x0  }
0x4e: {  	[sflag:s0] =	ssyncadd.s32 @!p0 s1  }
0x4f: {  	[bflag:$0x3] =	sbarrier.arrive $0xFFFF  }
0x50: {  	_ =	shalt  }

</sc_bundles>
